<compile_context>
chip_gen: v7x
topology: tpu7x:2x2x1
jax: 0.10.2.dev20260603
libtpu: 0.0.44.dev20260713+nightly
codegen_flags: <defaults>
</compile_context>

<pallas_src>
import functools
import math

import jax
import jax.numpy as jnp
from jax import lax
from jax.experimental import pallas as pl
from jax.experimental.pallas import tpu as pltpu
from jax.experimental.pallas import tpu_sc as plsc

_SMOOTH = 0.1
_PAD = 0

_R = 32768
_V = 1000

_NW = 32
_RPW = _R // _NW
_CHUNK = 32
_NCH = _RPW // _CHUNK
_NFULL = _V // 16


def _sc_body(pred_hbm, tgt_hbm, out_hbm, tbuf, buf0, buf1, resbuf,
             sem0, sem1, *, eps, c0):
    nc = 2
    wid = lax.axis_index("s") * nc + lax.axis_index("c")
    base = wid * _RPW

    pltpu.sync_copy(tgt_hbm.at[pl.ds(base, _RPW)], tbuf.at[pl.ds(0, _RPW)])

    pltpu.async_copy(pred_hbm.at[pl.ds(base, _CHUNK)], buf0, sem0)
    pltpu.async_copy(pred_hbm.at[pl.ds(base + _CHUNK, _CHUNK)], buf1, sem1)

    iota16 = lax.iota(jnp.int32, 16)
    tailmask = jnp.where(iota16 < 8, 0.0, 1.0)
    zero16 = jnp.zeros((16,), jnp.float32)
    zeros_i = jnp.zeros((16,), jnp.int32)

    def process_chunk(jj, buf, accs):
        acc_s, acc_p0, acc_pt, acc_n1 = accs

        def row_body(r, acc_s):
            pa = buf[r, pl.ds(0, 16)]
            pb = buf[r, pl.ds(16, 16)]
            pc = buf[r, pl.ds(32, 16)]
            pd = buf[r, pl.ds(48, 16)]
            for k in range(4, _NFULL, 4):
                pa = pa + buf[r, pl.ds(16 * k, 16)]
                pb = pb + buf[r, pl.ds(16 * (k + 1), 16)]
                if k + 2 < _NFULL:
                    pc = pc + buf[r, pl.ds(16 * (k + 2), 16)]
                if k + 3 < _NFULL:
                    pd = pd + buf[r, pl.ds(16 * (k + 3), 16)]
            pd = pd + buf[r, pl.ds(_V - 16, 16)] * tailmask
            part = (pa + pb) + (pc + pd)
            t = tbuf[pl.ds(jj * _CHUNK + r, 16)][0]
            return acc_s + jnp.where(t != _PAD, part, zero16)

        acc_s = lax.fori_loop(0, _CHUNK, row_body, acc_s, unroll=False)

        for g in range(_CHUNK // 16):
            rows16 = iota16 + g * 16
            t16 = tbuf[pl.ds(jj * _CHUNK + g * 16, 16)]
            ptv = plsc.load_gather(buf, [rows16, t16])
            p0v = plsc.load_gather(buf, [rows16, zeros_i])
            m = t16 != _PAD
            acc_pt = acc_pt + jnp.where(m, ptv, zero16)
            acc_p0 = acc_p0 + jnp.where(m, p0v, zero16)
            acc_n1 = acc_n1 + jnp.where(m, 1.0, 0.0)
        return acc_s, acc_p0, acc_pt, acc_n1

    def outer(j2, accs):
        for b in range(2):
            jj = 2 * j2 + b
            buf = buf0 if b == 0 else buf1
            sem = sem0 if b == 0 else sem1
            pltpu.make_async_copy(
                pred_hbm.at[pl.ds(base + jj * _CHUNK, _CHUNK)], buf, sem
            ).wait()
            accs = process_chunk(jj, buf, accs)

            @pl.when(jj + 2 < _NCH)
            def _():
                pltpu.async_copy(
                    pred_hbm.at[pl.ds(base + (jj + 2) * _CHUNK, _CHUNK)],
                    buf, sem)
        return accs

    init = (jnp.zeros((16,), jnp.float32), jnp.zeros((16,), jnp.float32),
            jnp.zeros((16,), jnp.float32), jnp.zeros((16,), jnp.float32))
    acc_s, acc_p0, acc_pt, acc_n1 = lax.fori_loop(
        0, _NCH // 2, outer, init, unroll=False)

    res = (c0 * acc_n1 - eps * (acc_s - acc_p0)
           + (eps - (1.0 - _SMOOTH)) * acc_pt)
    resbuf[...] = res
    pltpu.sync_copy(resbuf, out_hbm.at[wid])


def kernel(pred, target):
    B, S, V = pred.shape
    pred2 = pred.reshape(B * S, V)
    tgt = target.reshape(B * S)
    eps = _SMOOTH / (V - 2)
    c0 = _SMOOTH * math.log(eps) + (1.0 - _SMOOTH) * math.log(1.0 - _SMOOTH)

    mesh = plsc.VectorSubcoreMesh(core_axis_name="c", subcore_axis_name="s")
    sc_fn = functools.partial(
        pl.kernel,
        mesh=mesh,
        out_type=jax.ShapeDtypeStruct((_NW, 16), jnp.float32),
        scratch_types=[
            pltpu.VMEM((_RPW + 16,), jnp.int32),
            pltpu.VMEM((_CHUNK, _V), jnp.float32),
            pltpu.VMEM((_CHUNK, _V), jnp.float32),
            pltpu.VMEM((16,), jnp.float32),
            pltpu.SemaphoreType.DMA,
            pltpu.SemaphoreType.DMA,
        ],
        compiler_params=pltpu.CompilerParams(
            use_tc_tiling_on_sc=True, needs_layout_passes=False),
    )(functools.partial(_sc_body, eps=eps, c0=c0))
    partials = sc_fn(pred2, tgt)
    return jnp.sum(partials)

# --- scband reference (transcript-rebuilt; emitter-appended) ---
"""Pipeline reference for scband-label-smoothing-884763263692 (READ-ONLY COPY).

The authoritative reference and input builder live on the scoring server;
editing this copy changes nothing except your own understanding.
"""

import jax, jax.numpy as jnp
import numpy as np

SMOOTHING = 0.1
PAD_IDX = 0


def setup_inputs(seed: int = 0) -> dict:
    key = jax.random.key(seed)
    k1, k2 = jax.random.split(key)
    pred = jax.random.normal(k1, (4, 8192, 1000), dtype=jnp.float32)
    target = jax.random.randint(k2, (4, 8192), 0, 1000, dtype=jnp.int32)
    return {"pred": pred, "target": target}


def reference(pred, target):
    B, S, V = pred.shape
    pred2 = pred.reshape(-1, V)
    tgt = target.reshape(-1)
    # dist = smoothing * ones / (V - 2)
    dist = SMOOTHING * jnp.ones_like(pred2) / (V - 2)
    # dist.scatter_(1, target.unsqueeze(-1), 1 - smoothing)
    rows = jnp.arange(tgt.shape[0])
    dist = dist.at[rows, tgt].set(1.0 - SMOOTHING)
    # dist[:, pad_idx] = 0
    dist = dist.at[:, PAD_IDX].set(0.0)
    # zero out rows where target == pad_idx (index_fill_)
    pad_mask = (tgt == PAD_IDX)
    dist = jnp.where(pad_mask[:, None], 0.0, dist)
    # F.kl_div(pred, dist, reduction='sum') = sum( xlogy(dist, dist) - dist * pred )
    loss = jnp.sum(jax.scipy.special.xlogy(dist, dist) - dist * pred2)
    return loss

if __name__ == "__main__":
    import jax
    _d = setup_inputs()
    print(jax.jit(kernel)(*tuple(_d.values())))

</pallas_src>

<mosaic_0001>
#map = affine_map<(d0, d1) -> (0, 0)>
#map1 = affine_map<(d0, d1) -> (0)>
module attributes {stable_mosaic.version = 14 : i64} {
  func.func @_sc_body(%arg0: i32, %arg1: i32, %arg2: memref<32768x1000xf32, #tpu.memory_space<hbm>>, %arg3: memref<32768xi32, #tpu.memory_space<hbm>>, %arg4: memref<32x16xf32, #tpu.memory_space<hbm>>, %arg5: memref<1040xi32, #tpu.memory_space<vmem>>, %arg6: memref<32x1000xf32, #tpu.memory_space<vmem>>, %arg7: memref<32x1000xf32, #tpu.memory_space<vmem>>, %arg8: memref<16xf32, #tpu.memory_space<vmem>>, %arg9: memref<!tpu.dma_semaphore, #tpu.memory_space<semaphore_mem>>, %arg10: memref<!tpu.dma_semaphore, #tpu.memory_space<semaphore_mem>>) attributes {dimension_semantics = [#tpu.dimension_semantics<core_parallel>, #tpu.dimension_semantics<subcore_parallel>], iteration_bounds = array<i64: 2, 16>, scalar_prefetch = 0 : i64, scratch_operands = 6 : i64, tpu.core_type = #tpu.core_type<sc_vector_subcore>, window_params = [{transform_indices = #map}, {transform_indices = #map1}, {transform_indices = #map}]} {
    %mul3A = arith.constant 2 : i32
    %mul3A_0 = arith.muli %arg1, %mul3A : i32
    %add3A = arith.addi %mul3A_0, %arg0 : i32
    %mul3A_1 = arith.constant 1024 : i32
    %mul3A_2 = arith.muli %add3A, %mul3A_1 : i32
    "tpu.region"() ({
      %run_scoped3A = tpu.sem_alloc : memref<!tpu.dma_semaphore, #tpu.memory_space<semaphore_mem>>
      %dma_start3A_45 = arith.constant 0 : i32
      %dma_start3A_46 = tpu.memref_slice %arg5[%dma_start3A_45] : memref<1040xi32, #tpu.memory_space<vmem>> -> memref<1024xi32, #tpu.memory_space<vmem>>
      %dma_start3A_47 = tpu.memref_slice %arg3[%mul3A_2] : memref<32768xi32, #tpu.memory_space<hbm>> -> memref<1024xi32, #tpu.memory_space<hbm>>
      %dma_start3A_48 = arith.constant 0 : i32
      %dma_start3A_49 = tpu.memref_slice %arg5[%dma_start3A_48] : memref<1040xi32, #tpu.memory_space<vmem>> -> memref<1024xi32, #tpu.memory_space<vmem>>
      %dma_start3A_50 = tpu.memref_slice %arg3[%mul3A_2] : memref<32768xi32, #tpu.memory_space<hbm>> -> memref<1024xi32, #tpu.memory_space<hbm>>
      tpu.enqueue_dma source(%dma_start3A_50 : memref<1024xi32, #tpu.memory_space<hbm>>) target(%dma_start3A_49 : memref<1024xi32, #tpu.memory_space<vmem>>) target_semaphore(%run_scoped3A : memref<!tpu.dma_semaphore, #tpu.memory_space<semaphore_mem>>)
      %dma_wait3A = arith.constant 0 : i32
      %dma_wait3A_51 = tpu.memref_slice %arg5[%dma_wait3A] : memref<1040xi32, #tpu.memory_space<vmem>> -> memref<1024xi32, #tpu.memory_space<vmem>>
      %dma_wait3A_52 = tpu.memref_slice %arg3[%mul3A_2] : memref<32768xi32, #tpu.memory_space<hbm>> -> memref<1024xi32, #tpu.memory_space<hbm>>
      %dma_wait3A_53 = arith.constant 0 : i32
      %dma_wait3A_54 = tpu.memref_slice %arg5[%dma_wait3A_53] : memref<1040xi32, #tpu.memory_space<vmem>> -> memref<1024xi32, #tpu.memory_space<vmem>>
      %dma_wait3A_55 = tpu.memref_slice %arg3[%mul3A_2] : memref<32768xi32, #tpu.memory_space<hbm>> -> memref<1024xi32, #tpu.memory_space<hbm>>
      tpu.wait_dma2 semaphore(%run_scoped3A : memref<!tpu.dma_semaphore, #tpu.memory_space<semaphore_mem>>) src(%dma_wait3A_55 : memref<1024xi32, #tpu.memory_space<hbm>>) dst(%dma_wait3A_54 : memref<1024xi32, #tpu.memory_space<vmem>>)
      tpu.yield
    }) : () -> ()
    %dma_start3A = arith.constant 0 : i32
    %dma_start3A_3 = tpu.memref_slice %arg2[%mul3A_2, %dma_start3A] : memref<32768x1000xf32, #tpu.memory_space<hbm>> -> memref<32x1000xf32, #tpu.memory_space<hbm>>
    %dma_start3A_4 = arith.constant 0 : i32
    %dma_start3A_5 = tpu.memref_slice %arg2[%mul3A_2, %dma_start3A_4] : memref<32768x1000xf32, #tpu.memory_space<hbm>> -> memref<32x1000xf32, #tpu.memory_space<hbm>>
    tpu.enqueue_dma source(%dma_start3A_5 : memref<32x1000xf32, #tpu.memory_space<hbm>>) target(%arg6 : memref<32x1000xf32, #tpu.memory_space<vmem>>) target_semaphore(%arg9 : memref<!tpu.dma_semaphore, #tpu.memory_space<semaphore_mem>>)
    %add3A_6 = arith.constant 32 : i32
    %add3A_7 = arith.addi %mul3A_2, %add3A_6 : i32
    %dma_start3A_8 = arith.constant 0 : i32
    %dma_start3A_9 = tpu.memref_slice %arg2[%add3A_7, %dma_start3A_8] : memref<32768x1000xf32, #tpu.memory_space<hbm>> -> memref<32x1000xf32, #tpu.memory_space<hbm>>
    %dma_start3A_10 = arith.constant 0 : i32
    %dma_start3A_11 = tpu.memref_slice %arg2[%add3A_7, %dma_start3A_10] : memref<32768x1000xf32, #tpu.memory_space<hbm>> -> memref<32x1000xf32, #tpu.memory_space<hbm>>
    tpu.enqueue_dma source(%dma_start3A_11 : memref<32x1000xf32, #tpu.memory_space<hbm>>) target(%arg7 : memref<32x1000xf32, #tpu.memory_space<vmem>>) target_semaphore(%arg10 : memref<!tpu.dma_semaphore, #tpu.memory_space<semaphore_mem>>)
    %iota3A = tpu.iota {dimensions = array<i32: 0>} : vector<16xi32>
    %lt3A = arith.constant 8 : i32
    %lt3A_12 = vector.broadcast %lt3A : i32 to vector<16xi32>
    %lt3A_13 = arith.cmpi slt, %iota3A, %lt3A_12 : vector<16xi32>
    %jit3A = arith.constant 0.000000e+00 : f32
    %jit3A_14 = arith.constant 1.000000e+00 : f32
    %broadcast_in_dim3A = vector.broadcast %jit3A : f32 to vector<16xf32>
    %broadcast_in_dim3A_15 = vector.broadcast %jit3A_14 : f32 to vector<16xf32>
    %select_n3A = arith.select %lt3A_13, %broadcast_in_dim3A, %broadcast_in_dim3A_15 : vector<16xi1>, vector<16xf32>
    %broadcast_in_dim3A_16 = arith.constant 0.000000e+00 : f32
    %broadcast_in_dim3A_17 = vector.broadcast %broadcast_in_dim3A_16 : f32 to vector<16xf32>
    %broadcast_in_dim3A_18 = arith.constant 0 : i32
    %broadcast_in_dim3A_19 = vector.broadcast %broadcast_in_dim3A_18 : i32 to vector<16xi32>
    %broadcast_in_dim3A_20 = arith.constant 0.000000e+00 : f32
    %broadcast_in_dim3A_21 = vector.broadcast %broadcast_in_dim3A_20 : f32 to vector<16xf32>
    %broadcast_in_dim3A_22 = arith.constant 0.000000e+00 : f32
    %broadcast_in_dim3A_23 = vector.broadcast %broadcast_in_dim3A_22 : f32 to vector<16xf32>
    %broadcast_in_dim3A_24 = arith.constant 0.000000e+00 : f32
    %broadcast_in_dim3A_25 = vector.broadcast %broadcast_in_dim3A_24 : f32 to vector<16xf32>
    %broadcast_in_dim3A_26 = arith.constant 0.000000e+00 : f32
    %broadcast_in_dim3A_27 = vector.broadcast %broadcast_in_dim3A_26 : f32 to vector<16xf32>
    %scan3A = arith.constant 0 : i32
    %scan3A_28 = arith.constant 16 : i32
    %scan3A_29 = arith.addi %scan3A, %scan3A_28 : i32
    %scan3A_30 = arith.constant 1 : i32
    %scan3A_31:4 = scf.for %scan3A_45 = %scan3A to %scan3A_29 step %scan3A_30 iter_args(%scan3A_46 = %broadcast_in_dim3A_21, %scan3A_47 = %broadcast_in_dim3A_23, %scan3A_48 = %broadcast_in_dim3A_25, %scan3A_49 = %broadcast_in_dim3A_27) -> (vector<16xf32>, vector<16xf32>, vector<16xf32>, vector<16xf32>)  : i32 {
      %mul3A_50 = arith.constant 2 : i32
      %mul3A_51 = arith.muli %mul3A_50, %scan3A_45 : i32
      %add3A_52 = arith.constant 0 : i32
      %add3A_53 = arith.addi %mul3A_51, %add3A_52 : i32
      %mul3A_54 = arith.constant 32 : i32
      %mul3A_55 = arith.muli %add3A_53, %mul3A_54 : i32
      %add3A_56 = arith.addi %mul3A_2, %mul3A_55 : i32
      %dma_wait3A = arith.constant 0 : i32
      %dma_wait3A_57 = tpu.memref_slice %arg2[%add3A_56, %dma_wait3A] : memref<32768x1000xf32, #tpu.memory_space<hbm>> -> memref<32x1000xf32, #tpu.memory_space<hbm>>
      %dma_wait3A_58 = arith.constant 0 : i32
      %dma_wait3A_59 = tpu.memref_slice %arg2[%add3A_56, %dma_wait3A_58] : memref<32768x1000xf32, #tpu.memory_space<hbm>> -> memref<32x1000xf32, #tpu.memory_space<hbm>>
      tpu.wait_dma2 semaphore(%arg9 : memref<!tpu.dma_semaphore, #tpu.memory_space<semaphore_mem>>) src(%dma_wait3A_59 : memref<32x1000xf32, #tpu.memory_space<hbm>>) dst(%arg6 : memref<32x1000xf32, #tpu.memory_space<vmem>>)
      %scan3A_60 = arith.constant 0 : i32
      %scan3A_61 = arith.constant 32 : i32
      %scan3A_62 = arith.addi %scan3A_60, %scan3A_61 : i32
      %scan3A_63 = arith.constant 1 : i32
      %scan3A_64 = scf.for %scan3A_188 = %scan3A_60 to %scan3A_62 step %scan3A_63 iter_args(%scan3A_189 = %scan3A_46) -> (vector<16xf32>)  : i32 {
        %get3A_190 = arith.index_cast %scan3A_188 : i32 to index
        %get3A_191 = arith.constant 0 : index
        %get3A_192 = tpu.vector_load %arg6[%get3A_190, %get3A_191] {strides = array<i32>} : memref<32x1000xf32, #tpu.memory_space<vmem>>, vector<16xf32>,
        %get3A_193 = arith.index_cast %scan3A_188 : i32 to index
        %get3A_194 = arith.constant 16 : index
        %get3A_195 = tpu.vector_load %arg6[%get3A_193, %get3A_194] {strides = array<i32>} : memref<32x1000xf32, #tpu.memory_space<vmem>>, vector<16xf32>,
        %get3A_196 = arith.index_cast %scan3A_188 : i32 to index
        %get3A_197 = arith.constant 32 : index
        %get3A_198 = tpu.vector_load %arg6[%get3A_196, %get3A_197] {strides = array<i32>} : memref<32x1000xf32, #tpu.memory_space<vmem>>, vector<16xf32>,
        %get3A_199 = arith.index_cast %scan3A_188 : i32 to index
        %get3A_200 = arith.constant 48 : index
        %get3A_201 = tpu.vector_load %arg6[%get3A_199, %get3A_200] {strides = array<i32>} : memref<32x1000xf32, #tpu.memory_space<vmem>>, vector<16xf32>,
        %get3A_202 = arith.index_cast %scan3A_188 : i32 to index
        %get3A_203 = arith.constant 64 : index
        %get3A_204 = tpu.vector_load %arg6[%get3A_202, %get3A_203] {strides = array<i32>} : memref<32x1000xf32, #tpu.memory_space<vmem>>, vector<16xf32>,
        %add3A_205 = arith.addf %get3A_192, %get3A_204 : vector<16xf32>
        %get3A_206 = arith.index_cast %scan3A_188 : i32 to index
        %get3A_207 = arith.constant 80 : index
        %get3A_208 = tpu.vector_load %arg6[%get3A_206, %get3A_207] {strides = array<i32>} : memref<32x1000xf32, #tpu.memory_space<vmem>>, vector<16xf32>,
        %add3A_209 = arith.addf %get3A_195, %get3A_208 : vector<16xf32>
        %get3A_210 = arith.index_cast %scan3A_188 : i32 to index
        %get3A_211 = arith.constant 96 : index
        %get3A_212 = tpu.vector_load %arg6[%get3A_210, %get3A_211] {strides = array<i32>} : memref<32x1000xf32, #tpu.memory_space<vmem>>, vector<16xf32>,
        %add3A_213 = arith.addf %get3A_198, %get3A_212 : vector<16xf32>
        %get3A_214 = arith.index_cast %scan3A_188 : i32 to index
        %get3A_215 = arith.constant 112 : index
        %get3A_216 = tpu.vector_load %arg6[%get3A_214, %get3A_215] {strides = array<i32>} : memref<32x1000xf32, #tpu.memory_space<vmem>>, vector<16xf32>,
        %add3A_217 = arith.addf %get3A_201, %get3A_216 : vector<16xf32>
        %get3A_218 = arith.index_cast %scan3A_188 : i32 to index
        %get3A_219 = arith.constant 128 : index
        %get3A_220 = tpu.vector_load %arg6[%get3A_218, %get3A_219] {strides = array<i32>} : memref<32x1000xf32, #tpu.memory_space<vmem>>, vector<16xf32>,
        %add3A_221 = arith.addf %add3A_205, %get3A_220 : vector<16xf32>
        %get3A_222 = arith.index_cast %scan3A_188 : i32 to index
        %get3A_223 = arith.constant 144 : index
        %get3A_224 = tpu.vector_load %arg6[%get3A_222, %get3A_223] {strides = array<i32>} : memref<32x1000xf32, #tpu.memory_space<vmem>>, vector<16xf32>,
        %add3A_225 = arith.addf %add3A_209, %get3A_224 : vector<16xf32>
        %get3A_226 = arith.index_cast %scan3A_188 : i32 to index
        %get3A_227 = arith.constant 160 : index
        %get3A_228 = tpu.vector_load %arg6[%get3A_226, %get3A_227] {strides = array<i32>} : memref<32x1000xf32, #tpu.memory_space<vmem>>, vector<16xf32>,
        %add3A_229 = arith.addf %add3A_213, %get3A_228 : vector<16xf32>
        %get3A_230 = arith.index_cast %scan3A_188 : i32 to index
        %get3A_231 = arith.constant 176 : index
        %get3A_232 = tpu.vector_load %arg6[%get3A_230, %get3A_231] {strides = array<i32>} : memref<32x1000xf32, #tpu.memory_space<vmem>>, vector<16xf32>,
        %add3A_233 = arith.addf %add3A_217, %get3A_232 : vector<16xf32>
        %get3A_234 = arith.index_cast %scan3A_188 : i32 to index
        %get3A_235 = arith.constant 192 : index
        %get3A_236 = tpu.vector_load %arg6[%get3A_234, %get3A_235] {strides = array<i32>} : memref<32x1000xf32, #tpu.memory_space<vmem>>, vector<16xf32>,
        %add3A_237 = arith.addf %add3A_221, %get3A_236 : vector<16xf32>
        %get3A_238 = arith.index_cast %scan3A_188 : i32 to index
        %get3A_239 = arith.constant 208 : index
        %get3A_240 = tpu.vector_load %arg6[%get3A_238, %get3A_239] {strides = array<i32>} : memref<32x1000xf32, #tpu.memory_space<vmem>>, vector<16xf32>,
        %add3A_241 = arith.addf %add3A_225, %get3A_240 : vector<16xf32>
        %get3A_242 = arith.index_cast %scan3A_188 : i32 to index
        %get3A_243 = arith.constant 224 : index
        %get3A_244 = tpu.vector_load %arg6[%get3A_242, %get3A_243] {strides = array<i32>} : memref<32x1000xf32, #tpu.memory_space<vmem>>, vector<16xf32>,
        %add3A_245 = arith.addf %add3A_229, %get3A_244 : vector<16xf32>
        %get3A_246 = arith.index_cast %scan3A_188 : i32 to index
        %get3A_247 = arith.constant 240 : index
        %get3A_248 = tpu.vector_load %arg6[%get3A_246, %get3A_247] {strides = array<i32>} : memref<32x1000xf32, #tpu.memory_space<vmem>>, vector<16xf32>,
        %add3A_249 = arith.addf %add3A_233, %get3A_248 : vector<16xf32>
        %get3A_250 = arith.index_cast %scan3A_188 : i32 to index
        %get3A_251 = arith.constant 256 : index
        %get3A_252 = tpu.vector_load %arg6[%get3A_250, %get3A_251] {strides = array<i32>} : memref<32x1000xf32, #tpu.memory_space<vmem>>, vector<16xf32>,
        %add3A_253 = arith.addf %add3A_237, %get3A_252 : vector<16xf32>
        %get3A_254 = arith.index_cast %scan3A_188 : i32 to index
        %get3A_255 = arith.constant 272 : index
        %get3A_256 = tpu.vector_load %arg6[%get3A_254, %get3A_255] {strides = array<i32>} : memref<32x1000xf32, #tpu.memory_space<vmem>>, vector<16xf32>,
        %add3A_257 = arith.addf %add3A_241, %get3A_256 : vector<16xf32>
        %get3A_258 = arith.index_cast %scan3A_188 : i32 to index
        %get3A_259 = arith.constant 288 : index
        %get3A_260 = tpu.vector_load %arg6[%get3A_258, %get3A_259] {strides = array<i32>} : memref<32x1000xf32, #tpu.memory_space<vmem>>, vector<16xf32>,
        %add3A_261 = arith.addf %add3A_245, %get3A_260 : vector<16xf32>
        %get3A_262 = arith.index_cast %scan3A_188 : i32 to index
        %get3A_263 = arith.constant 304 : index
        %get3A_264 = tpu.vector_load %arg6[%get3A_262, %get3A_263] {strides = array<i32>} : memref<32x1000xf32, #tpu.memory_space<vmem>>, vector<16xf32>,
        %add3A_265 = arith.addf %add3A_249, %get3A_264 : vector<16xf32>
        %get3A_266 = arith.index_cast %scan3A_188 : i32 to index
        %get3A_267 = arith.constant 320 : index
        %get3A_268 = tpu.vector_load %arg6[%get3A_266, %get3A_267] {strides = array<i32>} : memref<32x1000xf32, #tpu.memory_space<vmem>>, vector<16xf32>,
        %add3A_269 = arith.addf %add3A_253, %get3A_268 : vector<16xf32>
        %get3A_270 = arith.index_cast %scan3A_188 : i32 to index
        %get3A_271 = arith.constant 336 : index
        %get3A_272 = tpu.vector_load %arg6[%get3A_270, %get3A_271] {strides = array<i32>} : memref<32x1000xf32, #tpu.memory_space<vmem>>, vector<16xf32>,
        %add3A_273 = arith.addf %add3A_257, %get3A_272 : vector<16xf32>
        %get3A_274 = arith.index_cast %scan3A_188 : i32 to index
        %get3A_275 = arith.constant 352 : index
        %get3A_276 = tpu.vector_load %arg6[%get3A_274, %get3A_275] {strides = array<i32>} : memref<32x1000xf32, #tpu.memory_space<vmem>>, vector<16xf32>,
        %add3A_277 = arith.addf %add3A_261, %get3A_276 : vector<16xf32>
        %get3A_278 = arith.index_cast %scan3A_188 : i32 to index
        %get3A_279 = arith.constant 368 : index
        %get3A_280 = tpu.vector_load %arg6[%get3A_278, %get3A_279] {strides = array<i32>} : memref<32x1000xf32, #tpu.memory_space<vmem>>, vector<16xf32>,
        %add3A_281 = arith.addf %add3A_265, %get3A_280 : vector<16xf32>
        %get3A_282 = arith.index_cast %scan3A_188 : i32 to index
        %get3A_283 = arith.constant 384 : index
        %get3A_284 = tpu.vector_load %arg6[%get3A_282, %get3A_283] {strides = array<i32>} : memref<32x1000xf32, #tpu.memory_space<vmem>>, vector<16xf32>,
        %add3A_285 = arith.addf %add3A_269, %get3A_284 : vector<16xf32>
        %get3A_286 = arith.index_cast %scan3A_188 : i32 to index
        %get3A_287 = arith.constant 400 : index
        %get3A_288 = tpu.vector_load %arg6[%get3A_286, %get3A_287] {strides = array<i32>} : memref<32x1000xf32, #tpu.memory_space<vmem>>, vector<16xf32>,
        %add3A_289 = arith.addf %add3A_273, %get3A_288 : vector<16xf32>
        %get3A_290 = arith.index_cast %scan3A_188 : i32 to index
        %get3A_291 = arith.constant 416 : index
        %get3A_292 = tpu.vector_load %arg6[%get3A_290, %get3A_291] {strides = array<i32>} : memref<32x1000xf32, #tpu.memory_space<vmem>>, vector<16xf32>,
        %add3A_293 = arith.addf %add3A_277, %get3A_292 : vector<16xf32>
        %get3A_294 = arith.index_cast %scan3A_188 : i32 to index
        %get3A_295 = arith.constant 432 : index
        %get3A_296 = tpu.vector_load %arg6[%get3A_294, %get3A_295] {strides = array<i32>} : memref<32x1000xf32, #tpu.memory_space<vmem>>, vector<16xf32>,
        %add3A_297 = arith.addf %add3A_281, %get3A_296 : vector<16xf32>
        %get3A_298 = arith.index_cast %scan3A_188 : i32 to index
        %get3A_299 = arith.constant 448 : index
        %get3A_300 = tpu.vector_load %arg6[%get3A_298, %get3A_299] {strides = array<i32>} : memref<32x1000xf32, #tpu.memory_space<vmem>>, vector<16xf32>,
        %add3A_301 = arith.addf %add3A_285, %get3A_300 : vector<16xf32>
        %get3A_302 = arith.index_cast %scan3A_188 : i32 to index
        %get3A_303 = arith.constant 464 : index
        %get3A_304 = tpu.vector_load %arg6[%get3A_302, %get3A_303] {strides = array<i32>} : memref<32x1000xf32, #tpu.memory_space<vmem>>, vector<16xf32>,
        %add3A_305 = arith.addf %add3A_289, %get3A_304 : vector<16xf32>
        %get3A_306 = arith.index_cast %scan3A_188 : i32 to index
        %get3A_307 = arith.constant 480 : index
        %get3A_308 = tpu.vector_load %arg6[%get3A_306, %get3A_307] {strides = array<i32>} : memref<32x1000xf32, #tpu.memory_space<vmem>>, vector<16xf32>,
        %add3A_309 = arith.addf %add3A_293, %get3A_308 : vector<16xf32>
        %get3A_310 = arith.index_cast %scan3A_188 : i32 to index
        %get3A_311 = arith.constant 496 : index
        %get3A_312 = tpu.vector_load %arg6[%get3A_310, %get3A_311] {strides = array<i32>} : memref<32x1000xf32, #tpu.memory_space<vmem>>, vector<16xf32>,
        %add3A_313 = arith.addf %add3A_297, %get3A_312 : vector<16xf32>
        %get3A_314 = arith.index_cast %scan3A_188 : i32 to index
        %get3A_315 = arith.constant 512 : index
        %get3A_316 = tpu.vector_load %arg6[%get3A_314, %get3A_315] {strides = array<i32>} : memref<32x1000xf32, #tpu.memory_space<vmem>>, vector<16xf32>,
        %add3A_317 = arith.addf %add3A_301, %get3A_316 : vector<16xf32>
        %get3A_318 = arith.index_cast %scan3A_188 : i32 to index
        %get3A_319 = arith.constant 528 : index
        %get3A_320 = tpu.vector_load %arg6[%get3A_318, %get3A_319] {strides = array<i32>} : memref<32x1000xf32, #tpu.memory_space<vmem>>, vector<16xf32>,
        %add3A_321 = arith.addf %add3A_305, %get3A_320 : vector<16xf32>
        %get3A_322 = arith.index_cast %scan3A_188 : i32 to index
        %get3A_323 = arith.constant 544 : index
        %get3A_324 = tpu.vector_load %arg6[%get3A_322, %get3A_323] {strides = array<i32>} : memref<32x1000xf32, #tpu.memory_space<vmem>>, vector<16xf32>,
        %add3A_325 = arith.addf %add3A_309, %get3A_324 : vector<16xf32>
        %get3A_326 = arith.index_cast %scan3A_188 : i32 to index
        %get3A_327 = arith.constant 560 : index
        %get3A_328 = tpu.vector_load %arg6[%get3A_326, %get3A_327] {strides = array<i32>} : memref<32x1000xf32, #tpu.memory_space<vmem>>, vector<16xf32>,
        %add3A_329 = arith.addf %add3A_313, %get3A_328 : vector<16xf32>
        %get3A_330 = arith.index_cast %scan3A_188 : i32 to index
        %get3A_331 = arith.constant 576 : index
        %get3A_332 = tpu.vector_load %arg6[%get3A_330, %get3A_331] {strides = array<i32>} : memref<32x1000xf32, #tpu.memory_space<vmem>>, vector<16xf32>,
        %add3A_333 = arith.addf %add3A_317, %get3A_332 : vector<16xf32>
        %get3A_334 = arith.index_cast %scan3A_188 : i32 to index
        %get3A_335 = arith.constant 592 : index
        %get3A_336 = tpu.vector_load %arg6[%get3A_334, %get3A_335] {strides = array<i32>} : memref<32x1000xf32, #tpu.memory_space<vmem>>, vector<16xf32>,
        %add3A_337 = arith.addf %add3A_321, %get3A_336 : vector<16xf32>
        %get3A_338 = arith.index_cast %scan3A_188 : i32 to index
        %get3A_339 = arith.constant 608 : index
        %get3A_340 = tpu.vector_load %arg6[%get3A_338, %get3A_339] {strides = array<i32>} : memref<32x1000xf32, #tpu.memory_space<vmem>>, vector<16xf32>,
        %add3A_341 = arith.addf %add3A_325, %get3A_340 : vector<16xf32>
        %get3A_342 = arith.index_cast %scan3A_188 : i32 to index
        %get3A_343 = arith.constant 624 : index
        %get3A_344 = tpu.vector_load %arg6[%get3A_342, %get3A_343] {strides = array<i32>} : memref<32x1000xf32, #tpu.memory_space<vmem>>, vector<16xf32>,
        %add3A_345 = arith.addf %add3A_329, %get3A_344 : vector<16xf32>
        %get3A_346 = arith.index_cast %scan3A_188 : i32 to index
        %get3A_347 = arith.constant 640 : index
        %get3A_348 = tpu.vector_load %arg6[%get3A_346, %get3A_347] {strides = array<i32>} : memref<32x1000xf32, #tpu.memory_space<vmem>>, vector<16xf32>,
        %add3A_349 = arith.addf %add3A_333, %get3A_348 : vector<16xf32>
        %get3A_350 = arith.index_cast %scan3A_188 : i32 to index
        %get3A_351 = arith.constant 656 : index
        %get3A_352 = tpu.vector_load %arg6[%get3A_350, %get3A_351] {strides = array<i32>} : memref<32x1000xf32, #tpu.memory_space<vmem>>, vector<16xf32>,
        %add3A_353 = arith.addf %add3A_337, %get3A_352 : vector<16xf32>
        %get3A_354 = arith.index_cast %scan3A_188 : i32 to index
        %get3A_355 = arith.constant 672 : index
        %get3A_356 = tpu.vector_load %arg6[%get3A_354, %get3A_355] {strides = array<i32>} : memref<32x1000xf32, #tpu.memory_space<vmem>>, vector<16xf32>,
        %add3A_357 = arith.addf %add3A_341, %get3A_356 : vector<16xf32>
        %get3A_358 = arith.index_cast %scan3A_188 : i32 to index
        %get3A_359 = arith.constant 688 : index
        %get3A_360 = tpu.vector_load %arg6[%get3A_358, %get3A_359] {strides = array<i32>} : memref<32x1000xf32, #tpu.memory_space<vmem>>, vector<16xf32>,
        %add3A_361 = arith.addf %add3A_345, %get3A_360 : vector<16xf32>
        %get3A_362 = arith.index_cast %scan3A_188 : i32 to index
        %get3A_363 = arith.constant 704 : index
        %get3A_364 = tpu.vector_load %arg6[%get3A_362, %get3A_363] {strides = array<i32>} : memref<32x1000xf32, #tpu.memory_space<vmem>>, vector<16xf32>,
        %add3A_365 = arith.addf %add3A_349, %get3A_364 : vector<16xf32>
        %get3A_366 = arith.index_cast %scan3A_188 : i32 to index
        %get3A_367 = arith.constant 720 : index
        %get3A_368 = tpu.vector_load %arg6[%get3A_366, %get3A_367] {strides = array<i32>} : memref<32x1000xf32, #tpu.memory_space<vmem>>, vector<16xf32>,
        %add3A_369 = arith.addf %add3A_353, %get3A_368 : vector<16xf32>
        %get3A_370 = arith.index_cast %scan3A_188 : i32 to index
        %get3A_371 = arith.constant 736 : index
        %get3A_372 = tpu.vector_load %arg6[%get3A_370, %get3A_371] {strides = array<i32>} : memref<32x1000xf32, #tpu.memory_space<vmem>>, vector<16xf32>,
        %add3A_373 = arith.addf %add3A_357, %get3A_372 : vector<16xf32>
        %get3A_374 = arith.index_cast %scan3A_188 : i32 to index
        %get3A_375 = arith.constant 752 : index
        %get3A_376 = tpu.vector_load %arg6[%get3A_374, %get3A_375] {strides = array<i32>} : memref<32x1000xf32, #tpu.memory_space<vmem>>, vector<16xf32>,
        %add3A_377 = arith.addf %add3A_361, %get3A_376 : vector<16xf32>
        %get3A_378 = arith.index_cast %scan3A_188 : i32 to index
        %get3A_379 = arith.constant 768 : index
        %get3A_380 = tpu.vector_load %arg6[%get3A_378, %get3A_379] {strides = array<i32>} : memref<32x1000xf32, #tpu.memory_space<vmem>>, vector<16xf32>,
        %add3A_381 = arith.addf %add3A_365, %get3A_380 : vector<16xf32>
        %get3A_382 = arith.index_cast %scan3A_188 : i32 to index
        %get3A_383 = arith.constant 784 : index
        %get3A_384 = tpu.vector_load %arg6[%get3A_382, %get3A_383] {strides = array<i32>} : memref<32x1000xf32, #tpu.memory_space<vmem>>, vector<16xf32>,
        %add3A_385 = arith.addf %add3A_369, %get3A_384 : vector<16xf32>
        %get3A_386 = arith.index_cast %scan3A_188 : i32 to index
        %get3A_387 = arith.constant 800 : index
        %get3A_388 = tpu.vector_load %arg6[%get3A_386, %get3A_387] {strides = array<i32>} : memref<32x1000xf32, #tpu.memory_space<vmem>>, vector<16xf32>,
        %add3A_389 = arith.addf %add3A_373, %get3A_388 : vector<16xf32>
        %get3A_390 = arith.index_cast %scan3A_188 : i32 to index
        %get3A_391 = arith.constant 816 : index
        %get3A_392 = tpu.vector_load %arg6[%get3A_390, %get3A_391] {strides = array<i32>} : memref<32x1000xf32, #tpu.memory_space<vmem>>, vector<16xf32>,
        %add3A_393 = arith.addf %add3A_377, %get3A_392 : vector<16xf32>
        %get3A_394 = arith.index_cast %scan3A_188 : i32 to index
        %get3A_395 = arith.constant 832 : index
        %get3A_396 = tpu.vector_load %arg6[%get3A_394, %get3A_395] {strides = array<i32>} : memref<32x1000xf32, #tpu.memory_space<vmem>>, vector<16xf32>,
        %add3A_397 = arith.addf %add3A_381, %get3A_396 : vector<16xf32>
        %get3A_398 = arith.index_cast %scan3A_188 : i32 to index
        %get3A_399 = arith.constant 848 : index
        %get3A_400 = tpu.vector_load %arg6[%get3A_398, %get3A_399] {strides = array<i32>} : memref<32x1000xf32, #tpu.memory_space<vmem>>, vector<16xf32>,
        %add3A_401 = arith.addf %add3A_385, %get3A_400 : vector<16xf32>
        %get3A_402 = arith.index_cast %scan3A_188 : i32 to index
        %get3A_403 = arith.constant 864 : index
        %get3A_404 = tpu.vector_load %arg6[%get3A_402, %get3A_403] {strides = array<i32>} : memref<32x1000xf32, #tpu.memory_space<vmem>>, vector<16xf32>,
        %add3A_405 = arith.addf %add3A_389, %get3A_404 : vector<16xf32>
        %get3A_406 = arith.index_cast %scan3A_188 : i32 to index
        %get3A_407 = arith.constant 880 : index
        %get3A_408 = tpu.vector_load %arg6[%get3A_406, %get3A_407] {strides = array<i32>} : memref<32x1000xf32, #tpu.memory_space<vmem>>, vector<16xf32>,
        %add3A_409 = arith.addf %add3A_393, %get3A_408 : vector<16xf32>
        %get3A_410 = arith.index_cast %scan3A_188 : i32 to index
        %get3A_411 = arith.constant 896 : index
        %get3A_412 = tpu.vector_load %arg6[%get3A_410, %get3A_411] {strides = array<i32>} : memref<32x1000xf32, #tpu.memory_space<vmem>>, vector<16xf32>,
        %add3A_413 = arith.addf %add3A_397, %get3A_412 : vector<16xf32>
        %get3A_414 = arith.index_cast %scan3A_188 : i32 to index
        %get3A_415 = arith.constant 912 : index
        %get3A_416 = tpu.vector_load %arg6[%get3A_414, %get3A_415] {strides = array<i32>} : memref<32x1000xf32, #tpu.memory_space<vmem>>, vector<16xf32>,
        %add3A_417 = arith.addf %add3A_401, %get3A_416 : vector<16xf32>
        %get3A_418 = arith.index_cast %scan3A_188 : i32 to index
        %get3A_419 = arith.constant 928 : index
        %get3A_420 = tpu.vector_load %arg6[%get3A_418, %get3A_419] {strides = array<i32>} : memref<32x1000xf32, #tpu.memory_space<vmem>>, vector<16xf32>,
        %add3A_421 = arith.addf %add3A_405, %get3A_420 : vector<16xf32>
        %get3A_422 = arith.index_cast %scan3A_188 : i32 to index
        %get3A_423 = arith.constant 944 : index
        %get3A_424 = tpu.vector_load %arg6[%get3A_422, %get3A_423] {strides = array<i32>} : memref<32x1000xf32, #tpu.memory_space<vmem>>, vector<16xf32>,
        %add3A_425 = arith.addf %add3A_409, %get3A_424 : vector<16xf32>
        %get3A_426 = arith.index_cast %scan3A_188 : i32 to index
        %get3A_427 = arith.constant 960 : index
        %get3A_428 = tpu.vector_load %arg6[%get3A_426, %get3A_427] {strides = array<i32>} : memref<32x1000xf32, #tpu.memory_space<vmem>>, vector<16xf32>,
        %add3A_429 = arith.addf %add3A_413, %get3A_428 : vector<16xf32>
        %get3A_430 = arith.index_cast %scan3A_188 : i32 to index
        %get3A_431 = arith.constant 976 : index
        %get3A_432 = tpu.vector_load %arg6[%get3A_430, %get3A_431] {strides = array<i32>} : memref<32x1000xf32, #tpu.memory_space<vmem>>, vector<16xf32>,
        %add3A_433 = arith.addf %add3A_417, %get3A_432 : vector<16xf32>
        %get3A_434 = arith.index_cast %scan3A_188 : i32 to index
        %get3A_435 = arith.constant 984 : index
        %get3A_436 = tpu.vector_load %arg6[%get3A_434, %get3A_435] {strides = array<i32>} : memref<32x1000xf32, #tpu.memory_space<vmem>>, vector<16xf32>,
        %mul3A_437 = arith.mulf %get3A_436, %select_n3A : vector<16xf32>
        %add3A_438 = arith.addf %add3A_425, %mul3A_437 : vector<16xf32>
        %add3A_439 = arith.addf %add3A_429, %add3A_433 : vector<16xf32>
        %add3A_440 = arith.addf %add3A_421, %add3A_438 : vector<16xf32>
        %add3A_441 = arith.addf %add3A_439, %add3A_440 : vector<16xf32>
        %mul3A_442 = arith.constant 32 : i32
        %mul3A_443 = arith.muli %add3A_53, %mul3A_442 : i32
        %add3A_444 = arith.addi %mul3A_443, %scan3A_188 : i32
        %get3A_445 = arith.index_cast %add3A_444 : i32 to index
        %get3A_446 = tpu.vector_load %arg5[%get3A_445] {strides = array<i32>} : memref<1040xi32, #tpu.memory_space<vmem>>, vector<16xi32>,
        %slice3A = vector.extract_strided_slice %get3A_446 {offsets = [0], sizes = [1], strides = [1]} : vector<16xi32> to vector<1xi32>
        %squeeze3A = vector.extract %slice3A[0] : i32 from vector<1xi32>
        %ne3A_447 = arith.constant 0 : i32
        %ne3A_448 = arith.cmpi ne, %squeeze3A, %ne3A_447 : i32
        %select_n3A_449 = arith.select %ne3A_448, %add3A_441, %broadcast_in_dim3A_17 : vector<16xf32>
        %add3A_450 = arith.addf %scan3A_189, %select_n3A_449 : vector<16xf32>
        scf.yield %add3A_450 : vector<16xf32>
      }
      %scan3A_65 = arith.constant 32 : i32
      %add3A_66 = arith.constant 0 : i32
      %add3A_67 = vector.broadcast %add3A_66 : i32 to vector<16xi32>
      %add3A_68 = arith.addi %iota3A, %add3A_67 : vector<16xi32>
      %mul3A_69 = arith.constant 32 : i32
      %mul3A_70 = arith.muli %add3A_53, %mul3A_69 : i32
      %add3A_71 = arith.constant 0 : i32
      %add3A_72 = arith.addi %mul3A_70, %add3A_71 : i32
      %get3A = arith.index_cast %add3A_72 : i32 to index
      %get3A_73 = tpu.vector_load %arg5[%get3A] {strides = array<i32>} : memref<1040xi32, #tpu.memory_space<vmem>>, vector<16xi32>,
      %gather3A = tpu.vector_load_idx %arg6[%add3A_68, %get3A_73] : memref<32x1000xf32, #tpu.memory_space<vmem>>[vector<16xi32>, vector<16xi32>], vector<16xf32>,
      %gather3A_74 = tpu.vector_load_idx %arg6[%add3A_68, %broadcast_in_dim3A_19] : memref<32x1000xf32, #tpu.memory_space<vmem>>[vector<16xi32>, vector<16xi32>], vector<16xf32>,
      %ne3A = arith.constant 0 : i32
      %ne3A_75 = vector.broadcast %ne3A : i32 to vector<16xi32>
      %ne3A_76 = arith.cmpi ne, %get3A_73, %ne3A_75 : vector<16xi32>
      %select_n3A_77 = arith.select %ne3A_76, %gather3A, %broadcast_in_dim3A_17 : vector<16xi1>, vector<16xf32>
      %add3A_78 = arith.addf %scan3A_48, %select_n3A_77 : vector<16xf32>
      %select_n3A_79 = arith.select %ne3A_76, %gather3A_74, %broadcast_in_dim3A_17 : vector<16xi1>, vector<16xf32>
      %add3A_80 = arith.addf %scan3A_47, %select_n3A_79 : vector<16xf32>
      %jit3A_81 = arith.constant 1.000000e+00 : f32
      %jit3A_82 = arith.constant 0.000000e+00 : f32
      %broadcast_in_dim3A_83 = vector.broadcast %jit3A_81 : f32 to vector<16xf32>
      %broadcast_in_dim3A_84 = vector.broadcast %jit3A_82 : f32 to vector<16xf32>
      %select_n3A_85 = arith.select %ne3A_76, %broadcast_in_dim3A_83, %broadcast_in_dim3A_84 : vector<16xi1>, vector<16xf32>
      %add3A_86 = arith.addf %scan3A_49, %select_n3A_85 : vector<16xf32>
      %add3A_87 = arith.constant 16 : i32
      %add3A_88 = vector.broadcast %add3A_87 : i32 to vector<16xi32>
      %add3A_89 = arith.addi %iota3A, %add3A_88 : vector<16xi32>
      %mul3A_90 = arith.constant 32 : i32
      %mul3A_91 = arith.muli %add3A_53, %mul3A_90 : i32
      %add3A_92 = arith.constant 16 : i32
      %add3A_93 = arith.addi %mul3A_91, %add3A_92 : i32
      %get3A_94 = arith.index_cast %add3A_93 : i32 to index
      %get3A_95 = tpu.vector_load %arg5[%get3A_94] {strides = array<i32>} : memref<1040xi32, #tpu.memory_space<vmem>>, vector<16xi32>,
      %gather3A_96 = tpu.vector_load_idx %arg6[%add3A_89, %get3A_95] : memref<32x1000xf32, #tpu.memory_space<vmem>>[vector<16xi32>, vector<16xi32>], vector<16xf32>,
      %gather3A_97 = tpu.vector_load_idx %arg6[%add3A_89, %broadcast_in_dim3A_19] : memref<32x1000xf32, #tpu.memory_space<vmem>>[vector<16xi32>, vector<16xi32>], vector<16xf32>,
      %ne3A_98 = arith.constant 0 : i32
      %ne3A_99 = vector.broadcast %ne3A_98 : i32 to vector<16xi32>
      %ne3A_100 = arith.cmpi ne, %get3A_95, %ne3A_99 : vector<16xi32>
      %select_n3A_101 = arith.select %ne3A_100, %gather3A_96, %broadcast_in_dim3A_17 : vector<16xi1>, vector<16xf32>
      %add3A_102 = arith.addf %add3A_78, %select_n3A_101 : vector<16xf32>
      %select_n3A_103 = arith.select %ne3A_100, %gather3A_97, %broadcast_in_dim3A_17 : vector<16xi1>, vector<16xf32>
      %add3A_104 = arith.addf %add3A_80, %select_n3A_103 : vector<16xf32>
      %jit3A_105 = arith.constant 1.000000e+00 : f32
      %jit3A_106 = arith.constant 0.000000e+00 : f32
      %broadcast_in_dim3A_107 = vector.broadcast %jit3A_105 : f32 to vector<16xf32>
      %broadcast_in_dim3A_108 = vector.broadcast %jit3A_106 : f32 to vector<16xf32>
      %select_n3A_109 = arith.select %ne3A_100, %broadcast_in_dim3A_107, %broadcast_in_dim3A_108 : vector<16xi1>, vector<16xf32>
      %add3A_110 = arith.addf %add3A_86, %select_n3A_109 : vector<16xf32>
      %add3A_111 = arith.constant 2 : i32
      %add3A_112 = arith.addi %add3A_53, %add3A_111 : i32
      %lt3A_113 = arith.constant 32 : i32
      %lt3A_114 = arith.cmpi slt, %add3A_112, %lt3A_113 : i32
      %convert_element_type3A = arith.extui %lt3A_114 : i1 to i32
      %cond3A = arith.constant 0 : i32
      %cond3A_115 = arith.cmpi ne, %convert_element_type3A, %cond3A : i32
      scf.if %cond3A_115 {
        %add3A_188 = arith.constant 2 : i32
        %add3A_189 = arith.addi %add3A_53, %add3A_188 : i32
        %mul3A_190 = arith.constant 32 : i32
        %mul3A_191 = arith.muli %add3A_189, %mul3A_190 : i32
        %add3A_192 = arith.addi %mul3A_2, %mul3A_191 : i32
        %dma_start3A_193 = arith.constant 0 : i32
        %dma_start3A_194 = tpu.memref_slice %arg2[%add3A_192, %dma_start3A_193] : memref<32768x1000xf32, #tpu.memory_space<hbm>> -> memref<32x1000xf32, #tpu.memory_space<hbm>>
        %dma_start3A_195 = arith.constant 0 : i32
        %dma_start3A_196 = tpu.memref_slice %arg2[%add3A_192, %dma_start3A_195] : memref<32768x1000xf32, #tpu.memory_space<hbm>> -> memref<32x1000xf32, #tpu.memory_space<hbm>>
        tpu.enqueue_dma source(%dma_start3A_196 : memref<32x1000xf32, #tpu.memory_space<hbm>>) target(%arg6 : memref<32x1000xf32, #tpu.memory_space<vmem>>) target_semaphore(%arg9 : memref<!tpu.dma_semaphore, #tpu.memory_space<semaphore_mem>>)
      } else {
      }
      %mul3A_116 = arith.constant 2 : i32
      %mul3A_117 = arith.muli %mul3A_116, %scan3A_45 : i32
      %add3A_118 = arith.constant 1 : i32
      %add3A_119 = arith.addi %mul3A_117, %add3A_118 : i32
      %mul3A_120 = arith.constant 32 : i32
      %mul3A_121 = arith.muli %add3A_119, %mul3A_120 : i32
      %add3A_122 = arith.addi %mul3A_2, %mul3A_121 : i32
      %dma_wait3A_123 = arith.constant 0 : i32
      %dma_wait3A_124 = tpu.memref_slice %arg2[%add3A_122, %dma_wait3A_123] : memref<32768x1000xf32, #tpu.memory_space<hbm>> -> memref<32x1000xf32, #tpu.memory_space<hbm>>
      %dma_wait3A_125 = arith.constant 0 : i32
      %dma_wait3A_126 = tpu.memref_slice %arg2[%add3A_122, %dma_wait3A_125] : memref<32768x1000xf32, #tpu.memory_space<hbm>> -> memref<32x1000xf32, #tpu.memory_space<hbm>>
      tpu.wait_dma2 semaphore(%arg10 : memref<!tpu.dma_semaphore, #tpu.memory_space<semaphore_mem>>) src(%dma_wait3A_126 : memref<32x1000xf32, #tpu.memory_space<hbm>>) dst(%arg7 : memref<32x1000xf32, #tpu.memory_space<vmem>>)
      %scan3A_127 = arith.constant 0 : i32
      %scan3A_128 = arith.constant 32 : i32
      %scan3A_129 = arith.addi %scan3A_127, %scan3A_128 : i32
      %scan3A_130 = arith.constant 1 : i32
      %scan3A_131 = scf.for %scan3A_188 = %scan3A_127 to %scan3A_129 step %scan3A_130 iter_args(%scan3A_189 = %scan3A_64) -> (vector<16xf32>)  : i32 {
        %get3A_190 = arith.index_cast %scan3A_188 : i32 to index
        %get3A_191 = arith.constant 0 : index
        %get3A_192 = tpu.vector_load %arg7[%get3A_190, %get3A_191] {strides = array<i32>} : memref<32x1000xf32, #tpu.memory_space<vmem>>, vector<16xf32>,
        %get3A_193 = arith.index_cast %scan3A_188 : i32 to index
        %get3A_194 = arith.constant 16 : index
        %get3A_195 = tpu.vector_load %arg7[%get3A_193, %get3A_194] {strides = array<i32>} : memref<32x1000xf32, #tpu.memory_space<vmem>>, vector<16xf32>,
        %get3A_196 = arith.index_cast %scan3A_188 : i32 to index
        %get3A_197 = arith.constant 32 : index
        %get3A_198 = tpu.vector_load %arg7[%get3A_196, %get3A_197] {strides = array<i32>} : memref<32x1000xf32, #tpu.memory_space<vmem>>, vector<16xf32>,
        %get3A_199 = arith.index_cast %scan3A_188 : i32 to index
        %get3A_200 = arith.constant 48 : index
        %get3A_201 = tpu.vector_load %arg7[%get3A_199, %get3A_200] {strides = array<i32>} : memref<32x1000xf32, #tpu.memory_space<vmem>>, vector<16xf32>,
        %get3A_202 = arith.index_cast %scan3A_188 : i32 to index
        %get3A_203 = arith.constant 64 : index
        %get3A_204 = tpu.vector_load %arg7[%get3A_202, %get3A_203] {strides = array<i32>} : memref<32x1000xf32, #tpu.memory_space<vmem>>, vector<16xf32>,
        %add3A_205 = arith.addf %get3A_192, %get3A_204 : vector<16xf32>
        %get3A_206 = arith.index_cast %scan3A_188 : i32 to index
        %get3A_207 = arith.constant 80 : index
        %get3A_208 = tpu.vector_load %arg7[%get3A_206, %get3A_207] {strides = array<i32>} : memref<32x1000xf32, #tpu.memory_space<vmem>>, vector<16xf32>,
        %add3A_209 = arith.addf %get3A_195, %get3A_208 : vector<16xf32>
        %get3A_210 = arith.index_cast %scan3A_188 : i32 to index
        %get3A_211 = arith.constant 96 : index
        %get3A_212 = tpu.vector_load %arg7[%get3A_210, %get3A_211] {strides = array<i32>} : memref<32x1000xf32, #tpu.memory_space<vmem>>, vector<16xf32>,
        %add3A_213 = arith.addf %get3A_198, %get3A_212 : vector<16xf32>
        %get3A_214 = arith.index_cast %scan3A_188 : i32 to index
        %get3A_215 = arith.constant 112 : index
        %get3A_216 = tpu.vector_load %arg7[%get3A_214, %get3A_215] {strides = array<i32>} : memref<32x1000xf32, #tpu.memory_space<vmem>>, vector<16xf32>,
        %add3A_217 = arith.addf %get3A_201, %get3A_216 : vector<16xf32>
        %get3A_218 = arith.index_cast %scan3A_188 : i32 to index
        %get3A_219 = arith.constant 128 : index
        %get3A_220 = tpu.vector_load %arg7[%get3A_218, %get3A_219] {strides = array<i32>} : memref<32x1000xf32, #tpu.memory_space<vmem>>, vector<16xf32>,
        %add3A_221 = arith.addf %add3A_205, %get3A_220 : vector<16xf32>
        %get3A_222 = arith.index_cast %scan3A_188 : i32 to index
        %get3A_223 = arith.constant 144 : index
        %get3A_224 = tpu.vector_load %arg7[%get3A_222, %get3A_223] {strides = array<i32>} : memref<32x1000xf32, #tpu.memory_space<vmem>>, vector<16xf32>,
        %add3A_225 = arith.addf %add3A_209, %get3A_224 : vector<16xf32>
        %get3A_226 = arith.index_cast %scan3A_188 : i32 to index
        %get3A_227 = arith.constant 160 : index
        %get3A_228 = tpu.vector_load %arg7[%get3A_226, %get3A_227] {strides = array<i32>} : memref<32x1000xf32, #tpu.memory_space<vmem>>, vector<16xf32>,
        %add3A_229 = arith.addf %add3A_213, %get3A_228 : vector<16xf32>
        %get3A_230 = arith.index_cast %scan3A_188 : i32 to index
        %get3A_231 = arith.constant 176 : index
        %get3A_232 = tpu.vector_load %arg7[%get3A_230, %get3A_231] {strides = array<i32>} : memref<32x1000xf32, #tpu.memory_space<vmem>>, vector<16xf32>,
        %add3A_233 = arith.addf %add3A_217, %get3A_232 : vector<16xf32>
        %get3A_234 = arith.index_cast %scan3A_188 : i32 to index
        %get3A_235 = arith.constant 192 : index
        %get3A_236 = tpu.vector_load %arg7[%get3A_234, %get3A_235] {strides = array<i32>} : memref<32x1000xf32, #tpu.memory_space<vmem>>, vector<16xf32>,
        %add3A_237 = arith.addf %add3A_221, %get3A_236 : vector<16xf32>
        %get3A_238 = arith.index_cast %scan3A_188 : i32 to index
        %get3A_239 = arith.constant 208 : index
        %get3A_240 = tpu.vector_load %arg7[%get3A_238, %get3A_239] {strides = array<i32>} : memref<32x1000xf32, #tpu.memory_space<vmem>>, vector<16xf32>,
        %add3A_241 = arith.addf %add3A_225, %get3A_240 : vector<16xf32>
        %get3A_242 = arith.index_cast %scan3A_188 : i32 to index
        %get3A_243 = arith.constant 224 : index
        %get3A_244 = tpu.vector_load %arg7[%get3A_242, %get3A_243] {strides = array<i32>} : memref<32x1000xf32, #tpu.memory_space<vmem>>, vector<16xf32>,
        %add3A_245 = arith.addf %add3A_229, %get3A_244 : vector<16xf32>
        %get3A_246 = arith.index_cast %scan3A_188 : i32 to index
        %get3A_247 = arith.constant 240 : index
        %get3A_248 = tpu.vector_load %arg7[%get3A_246, %get3A_247] {strides = array<i32>} : memref<32x1000xf32, #tpu.memory_space<vmem>>, vector<16xf32>,
        %add3A_249 = arith.addf %add3A_233, %get3A_248 : vector<16xf32>
        %get3A_250 = arith.index_cast %scan3A_188 : i32 to index
        %get3A_251 = arith.constant 256 : index
        %get3A_252 = tpu.vector_load %arg7[%get3A_250, %get3A_251] {strides = array<i32>} : memref<32x1000xf32, #tpu.memory_space<vmem>>, vector<16xf32>,
        %add3A_253 = arith.addf %add3A_237, %get3A_252 : vector<16xf32>
        %get3A_254 = arith.index_cast %scan3A_188 : i32 to index
        %get3A_255 = arith.constant 272 : index
        %get3A_256 = tpu.vector_load %arg7[%get3A_254, %get3A_255] {strides = array<i32>} : memref<32x1000xf32, #tpu.memory_space<vmem>>, vector<16xf32>,
        %add3A_257 = arith.addf %add3A_241, %get3A_256 : vector<16xf32>
        %get3A_258 = arith.index_cast %scan3A_188 : i32 to index
        %get3A_259 = arith.constant 288 : index
        %get3A_260 = tpu.vector_load %arg7[%get3A_258, %get3A_259] {strides = array<i32>} : memref<32x1000xf32, #tpu.memory_space<vmem>>, vector<16xf32>,
        %add3A_261 = arith.addf %add3A_245, %get3A_260 : vector<16xf32>
        %get3A_262 = arith.index_cast %scan3A_188 : i32 to index
        %get3A_263 = arith.constant 304 : index
        %get3A_264 = tpu.vector_load %arg7[%get3A_262, %get3A_263] {strides = array<i32>} : memref<32x1000xf32, #tpu.memory_space<vmem>>, vector<16xf32>,
        %add3A_265 = arith.addf %add3A_249, %get3A_264 : vector<16xf32>
        %get3A_266 = arith.index_cast %scan3A_188 : i32 to index
        %get3A_267 = arith.constant 320 : index
        %get3A_268 = tpu.vector_load %arg7[%get3A_266, %get3A_267] {strides = array<i32>} : memref<32x1000xf32, #tpu.memory_space<vmem>>, vector<16xf32>,
        %add3A_269 = arith.addf %add3A_253, %get3A_268 : vector<16xf32>
        %get3A_270 = arith.index_cast %scan3A_188 : i32 to index
        %get3A_271 = arith.constant 336 : index
        %get3A_272 = tpu.vector_load %arg7[%get3A_270, %get3A_271] {strides = array<i32>} : memref<32x1000xf32, #tpu.memory_space<vmem>>, vector<16xf32>,
        %add3A_273 = arith.addf %add3A_257, %get3A_272 : vector<16xf32>
        %get3A_274 = arith.index_cast %scan3A_188 : i32 to index
        %get3A_275 = arith.constant 352 : index
        %get3A_276 = tpu.vector_load %arg7[%get3A_274, %get3A_275] {strides = array<i32>} : memref<32x1000xf32, #tpu.memory_space<vmem>>, vector<16xf32>,
        %add3A_277 = arith.addf %add3A_261, %get3A_276 : vector<16xf32>
        %get3A_278 = arith.index_cast %scan3A_188 : i32 to index
        %get3A_279 = arith.constant 368 : index
        %get3A_280 = tpu.vector_load %arg7[%get3A_278, %get3A_279] {strides = array<i32>} : memref<32x1000xf32, #tpu.memory_space<vmem>>, vector<16xf32>,
        %add3A_281 = arith.addf %add3A_265, %get3A_280 : vector<16xf32>
        %get3A_282 = arith.index_cast %scan3A_188 : i32 to index
        %get3A_283 = arith.constant 384 : index
        %get3A_284 = tpu.vector_load %arg7[%get3A_282, %get3A_283] {strides = array<i32>} : memref<32x1000xf32, #tpu.memory_space<vmem>>, vector<16xf32>,
        %add3A_285 = arith.addf %add3A_269, %get3A_284 : vector<16xf32>
        %get3A_286 = arith.index_cast %scan3A_188 : i32 to index
        %get3A_287 = arith.constant 400 : index
        %get3A_288 = tpu.vector_load %arg7[%get3A_286, %get3A_287] {strides = array<i32>} : memref<32x1000xf32, #tpu.memory_space<vmem>>, vector<16xf32>,
        %add3A_289 = arith.addf %add3A_273, %get3A_288 : vector<16xf32>
        %get3A_290 = arith.index_cast %scan3A_188 : i32 to index
        %get3A_291 = arith.constant 416 : index
        %get3A_292 = tpu.vector_load %arg7[%get3A_290, %get3A_291] {strides = array<i32>} : memref<32x1000xf32, #tpu.memory_space<vmem>>, vector<16xf32>,
        %add3A_293 = arith.addf %add3A_277, %get3A_292 : vector<16xf32>
        %get3A_294 = arith.index_cast %scan3A_188 : i32 to index
        %get3A_295 = arith.constant 432 : index
        %get3A_296 = tpu.vector_load %arg7[%get3A_294, %get3A_295] {strides = array<i32>} : memref<32x1000xf32, #tpu.memory_space<vmem>>, vector<16xf32>,
        %add3A_297 = arith.addf %add3A_281, %get3A_296 : vector<16xf32>
        %get3A_298 = arith.index_cast %scan3A_188 : i32 to index
        %get3A_299 = arith.constant 448 : index
        %get3A_300 = tpu.vector_load %arg7[%get3A_298, %get3A_299] {strides = array<i32>} : memref<32x1000xf32, #tpu.memory_space<vmem>>, vector<16xf32>,
        %add3A_301 = arith.addf %add3A_285, %get3A_300 : vector<16xf32>
        %get3A_302 = arith.index_cast %scan3A_188 : i32 to index
        %get3A_303 = arith.constant 464 : index
        %get3A_304 = tpu.vector_load %arg7[%get3A_302, %get3A_303] {strides = array<i32>} : memref<32x1000xf32, #tpu.memory_space<vmem>>, vector<16xf32>,
        %add3A_305 = arith.addf %add3A_289, %get3A_304 : vector<16xf32>
        %get3A_306 = arith.index_cast %scan3A_188 : i32 to index
        %get3A_307 = arith.constant 480 : index
        %get3A_308 = tpu.vector_load %arg7[%get3A_306, %get3A_307] {strides = array<i32>} : memref<32x1000xf32, #tpu.memory_space<vmem>>, vector<16xf32>,
        %add3A_309 = arith.addf %add3A_293, %get3A_308 : vector<16xf32>
        %get3A_310 = arith.index_cast %scan3A_188 : i32 to index
        %get3A_311 = arith.constant 496 : index
        %get3A_312 = tpu.vector_load %arg7[%get3A_310, %get3A_311] {strides = array<i32>} : memref<32x1000xf32, #tpu.memory_space<vmem>>, vector<16xf32>,
        %add3A_313 = arith.addf %add3A_297, %get3A_312 : vector<16xf32>
        %get3A_314 = arith.index_cast %scan3A_188 : i32 to index
        %get3A_315 = arith.constant 512 : index
        %get3A_316 = tpu.vector_load %arg7[%get3A_314, %get3A_315] {strides = array<i32>} : memref<32x1000xf32, #tpu.memory_space<vmem>>, vector<16xf32>,
        %add3A_317 = arith.addf %add3A_301, %get3A_316 : vector<16xf32>
        %get3A_318 = arith.index_cast %scan3A_188 : i32 to index
        %get3A_319 = arith.constant 528 : index
        %get3A_320 = tpu.vector_load %arg7[%get3A_318, %get3A_319] {strides = array<i32>} : memref<32x1000xf32, #tpu.memory_space<vmem>>, vector<16xf32>,
        %add3A_321 = arith.addf %add3A_305, %get3A_320 : vector<16xf32>
        %get3A_322 = arith.index_cast %scan3A_188 : i32 to index
        %get3A_323 = arith.constant 544 : index
        %get3A_324 = tpu.vector_load %arg7[%get3A_322, %get3A_323] {strides = array<i32>} : memref<32x1000xf32, #tpu.memory_space<vmem>>, vector<16xf32>,
        %add3A_325 = arith.addf %add3A_309, %get3A_324 : vector<16xf32>
        %get3A_326 = arith.index_cast %scan3A_188 : i32 to index
        %get3A_327 = arith.constant 560 : index
        %get3A_328 = tpu.vector_load %arg7[%get3A_326, %get3A_327] {strides = array<i32>} : memref<32x1000xf32, #tpu.memory_space<vmem>>, vector<16xf32>,
        %add3A_329 = arith.addf %add3A_313, %get3A_328 : vector<16xf32>
        %get3A_330 = arith.index_cast %scan3A_188 : i32 to index
        %get3A_331 = arith.constant 576 : index
        %get3A_332 = tpu.vector_load %arg7[%get3A_330, %get3A_331] {strides = array<i32>} : memref<32x1000xf32, #tpu.memory_space<vmem>>, vector<16xf32>,
        %add3A_333 = arith.addf %add3A_317, %get3A_332 : vector<16xf32>
        %get3A_334 = arith.index_cast %scan3A_188 : i32 to index
        %get3A_335 = arith.constant 592 : index
        %get3A_336 = tpu.vector_load %arg7[%get3A_334, %get3A_335] {strides = array<i32>} : memref<32x1000xf32, #tpu.memory_space<vmem>>, vector<16xf32>,
        %add3A_337 = arith.addf %add3A_321, %get3A_336 : vector<16xf32>
        %get3A_338 = arith.index_cast %scan3A_188 : i32 to index
        %get3A_339 = arith.constant 608 : index
        %get3A_340 = tpu.vector_load %arg7[%get3A_338, %get3A_339] {strides = array<i32>} : memref<32x1000xf32, #tpu.memory_space<vmem>>, vector<16xf32>,
        %add3A_341 = arith.addf %add3A_325, %get3A_340 : vector<16xf32>
        %get3A_342 = arith.index_cast %scan3A_188 : i32 to index
        %get3A_343 = arith.constant 624 : index
        %get3A_344 = tpu.vector_load %arg7[%get3A_342, %get3A_343] {strides = array<i32>} : memref<32x1000xf32, #tpu.memory_space<vmem>>, vector<16xf32>,
        %add3A_345 = arith.addf %add3A_329, %get3A_344 : vector<16xf32>
        %get3A_346 = arith.index_cast %scan3A_188 : i32 to index
        %get3A_347 = arith.constant 640 : index
        %get3A_348 = tpu.vector_load %arg7[%get3A_346, %get3A_347] {strides = array<i32>} : memref<32x1000xf32, #tpu.memory_space<vmem>>, vector<16xf32>,
        %add3A_349 = arith.addf %add3A_333, %get3A_348 : vector<16xf32>
        %get3A_350 = arith.index_cast %scan3A_188 : i32 to index
        %get3A_351 = arith.constant 656 : index
        %get3A_352 = tpu.vector_load %arg7[%get3A_350, %get3A_351] {strides = array<i32>} : memref<32x1000xf32, #tpu.memory_space<vmem>>, vector<16xf32>,
        %add3A_353 = arith.addf %add3A_337, %get3A_352 : vector<16xf32>
        %get3A_354 = arith.index_cast %scan3A_188 : i32 to index
        %get3A_355 = arith.constant 672 : index
        %get3A_356 = tpu.vector_load %arg7[%get3A_354, %get3A_355] {strides = array<i32>} : memref<32x1000xf32, #tpu.memory_space<vmem>>, vector<16xf32>,
        %add3A_357 = arith.addf %add3A_341, %get3A_356 : vector<16xf32>
        %get3A_358 = arith.index_cast %scan3A_188 : i32 to index
        %get3A_359 = arith.constant 688 : index
        %get3A_360 = tpu.vector_load %arg7[%get3A_358, %get3A_359] {strides = array<i32>} : memref<32x1000xf32, #tpu.memory_space<vmem>>, vector<16xf32>,
        %add3A_361 = arith.addf %add3A_345, %get3A_360 : vector<16xf32>
        %get3A_362 = arith.index_cast %scan3A_188 : i32 to index
        %get3A_363 = arith.constant 704 : index
        %get3A_364 = tpu.vector_load %arg7[%get3A_362, %get3A_363] {strides = array<i32>} : memref<32x1000xf32, #tpu.memory_space<vmem>>, vector<16xf32>,
        %add3A_365 = arith.addf %add3A_349, %get3A_364 : vector<16xf32>
        %get3A_366 = arith.index_cast %scan3A_188 : i32 to index
        %get3A_367 = arith.constant 720 : index
        %get3A_368 = tpu.vector_load %arg7[%get3A_366, %get3A_367] {strides = array<i32>} : memref<32x1000xf32, #tpu.memory_space<vmem>>, vector<16xf32>,
        %add3A_369 = arith.addf %add3A_353, %get3A_368 : vector<16xf32>
        %get3A_370 = arith.index_cast %scan3A_188 : i32 to index
        %get3A_371 = arith.constant 736 : index
        %get3A_372 = tpu.vector_load %arg7[%get3A_370, %get3A_371] {strides = array<i32>} : memref<32x1000xf32, #tpu.memory_space<vmem>>, vector<16xf32>,
        %add3A_373 = arith.addf %add3A_357, %get3A_372 : vector<16xf32>
        %get3A_374 = arith.index_cast %scan3A_188 : i32 to index
        %get3A_375 = arith.constant 752 : index
        %get3A_376 = tpu.vector_load %arg7[%get3A_374, %get3A_375] {strides = array<i32>} : memref<32x1000xf32, #tpu.memory_space<vmem>>, vector<16xf32>,
        %add3A_377 = arith.addf %add3A_361, %get3A_376 : vector<16xf32>
        %get3A_378 = arith.index_cast %scan3A_188 : i32 to index
        %get3A_379 = arith.constant 768 : index
        %get3A_380 = tpu.vector_load %arg7[%get3A_378, %get3A_379] {strides = array<i32>} : memref<32x1000xf32, #tpu.memory_space<vmem>>, vector<16xf32>,
        %add3A_381 = arith.addf %add3A_365, %get3A_380 : vector<16xf32>
        %get3A_382 = arith.index_cast %scan3A_188 : i32 to index
        %get3A_383 = arith.constant 784 : index
        %get3A_384 = tpu.vector_load %arg7[%get3A_382, %get3A_383] {strides = array<i32>} : memref<32x1000xf32, #tpu.memory_space<vmem>>, vector<16xf32>,
        %add3A_385 = arith.addf %add3A_369, %get3A_384 : vector<16xf32>
        %get3A_386 = arith.index_cast %scan3A_188 : i32 to index
        %get3A_387 = arith.constant 800 : index
        %get3A_388 = tpu.vector_load %arg7[%get3A_386, %get3A_387] {strides = array<i32>} : memref<32x1000xf32, #tpu.memory_space<vmem>>, vector<16xf32>,
        %add3A_389 = arith.addf %add3A_373, %get3A_388 : vector<16xf32>
        %get3A_390 = arith.index_cast %scan3A_188 : i32 to index
        %get3A_391 = arith.constant 816 : index
        %get3A_392 = tpu.vector_load %arg7[%get3A_390, %get3A_391] {strides = array<i32>} : memref<32x1000xf32, #tpu.memory_space<vmem>>, vector<16xf32>,
        %add3A_393 = arith.addf %add3A_377, %get3A_392 : vector<16xf32>
        %get3A_394 = arith.index_cast %scan3A_188 : i32 to index
        %get3A_395 = arith.constant 832 : index
        %get3A_396 = tpu.vector_load %arg7[%get3A_394, %get3A_395] {strides = array<i32>} : memref<32x1000xf32, #tpu.memory_space<vmem>>, vector<16xf32>,
        %add3A_397 = arith.addf %add3A_381, %get3A_396 : vector<16xf32>
        %get3A_398 = arith.index_cast %scan3A_188 : i32 to index
        %get3A_399 = arith.constant 848 : index
        %get3A_400 = tpu.vector_load %arg7[%get3A_398, %get3A_399] {strides = array<i32>} : memref<32x1000xf32, #tpu.memory_space<vmem>>, vector<16xf32>,
        %add3A_401 = arith.addf %add3A_385, %get3A_400 : vector<16xf32>
        %get3A_402 = arith.index_cast %scan3A_188 : i32 to index
        %get3A_403 = arith.constant 864 : index
        %get3A_404 = tpu.vector_load %arg7[%get3A_402, %get3A_403] {strides = array<i32>} : memref<32x1000xf32, #tpu.memory_space<vmem>>, vector<16xf32>,
        %add3A_405 = arith.addf %add3A_389, %get3A_404 : vector<16xf32>
        %get3A_406 = arith.index_cast %scan3A_188 : i32 to index
        %get3A_407 = arith.constant 880 : index
        %get3A_408 = tpu.vector_load %arg7[%get3A_406, %get3A_407] {strides = array<i32>} : memref<32x1000xf32, #tpu.memory_space<vmem>>, vector<16xf32>,
        %add3A_409 = arith.addf %add3A_393, %get3A_408 : vector<16xf32>
        %get3A_410 = arith.index_cast %scan3A_188 : i32 to index
        %get3A_411 = arith.constant 896 : index
        %get3A_412 = tpu.vector_load %arg7[%get3A_410, %get3A_411] {strides = array<i32>} : memref<32x1000xf32, #tpu.memory_space<vmem>>, vector<16xf32>,
        %add3A_413 = arith.addf %add3A_397, %get3A_412 : vector<16xf32>
        %get3A_414 = arith.index_cast %scan3A_188 : i32 to index
        %get3A_415 = arith.constant 912 : index
        %get3A_416 = tpu.vector_load %arg7[%get3A_414, %get3A_415] {strides = array<i32>} : memref<32x1000xf32, #tpu.memory_space<vmem>>, vector<16xf32>,
        %add3A_417 = arith.addf %add3A_401, %get3A_416 : vector<16xf32>
        %get3A_418 = arith.index_cast %scan3A_188 : i32 to index
        %get3A_419 = arith.constant 928 : index
        %get3A_420 = tpu.vector_load %arg7[%get3A_418, %get3A_419] {strides = array<i32>} : memref<32x1000xf32, #tpu.memory_space<vmem>>, vector<16xf32>,
        %add3A_421 = arith.addf %add3A_405, %get3A_420 : vector<16xf32>
        %get3A_422 = arith.index_cast %scan3A_188 : i32 to index
        %get3A_423 = arith.constant 944 : index
        %get3A_424 = tpu.vector_load %arg7[%get3A_422, %get3A_423] {strides = array<i32>} : memref<32x1000xf32, #tpu.memory_space<vmem>>, vector<16xf32>,
        %add3A_425 = arith.addf %add3A_409, %get3A_424 : vector<16xf32>
        %get3A_426 = arith.index_cast %scan3A_188 : i32 to index
        %get3A_427 = arith.constant 960 : index
        %get3A_428 = tpu.vector_load %arg7[%get3A_426, %get3A_427] {strides = array<i32>} : memref<32x1000xf32, #tpu.memory_space<vmem>>, vector<16xf32>,
        %add3A_429 = arith.addf %add3A_413, %get3A_428 : vector<16xf32>
        %get3A_430 = arith.index_cast %scan3A_188 : i32 to index
        %get3A_431 = arith.constant 976 : index
        %get3A_432 = tpu.vector_load %arg7[%get3A_430, %get3A_431] {strides = array<i32>} : memref<32x1000xf32, #tpu.memory_space<vmem>>, vector<16xf32>,
        %add3A_433 = arith.addf %add3A_417, %get3A_432 : vector<16xf32>
        %get3A_434 = arith.index_cast %scan3A_188 : i32 to index
        %get3A_435 = arith.constant 984 : index
        %get3A_436 = tpu.vector_load %arg7[%get3A_434, %get3A_435] {strides = array<i32>} : memref<32x1000xf32, #tpu.memory_space<vmem>>, vector<16xf32>,
        %mul3A_437 = arith.mulf %get3A_436, %select_n3A : vector<16xf32>
        %add3A_438 = arith.addf %add3A_425, %mul3A_437 : vector<16xf32>
        %add3A_439 = arith.addf %add3A_429, %add3A_433 : vector<16xf32>
        %add3A_440 = arith.addf %add3A_421, %add3A_438 : vector<16xf32>
        %add3A_441 = arith.addf %add3A_439, %add3A_440 : vector<16xf32>
        %mul3A_442 = arith.constant 32 : i32
        %mul3A_443 = arith.muli %add3A_119, %mul3A_442 : i32
        %add3A_444 = arith.addi %mul3A_443, %scan3A_188 : i32
        %get3A_445 = arith.index_cast %add3A_444 : i32 to index
        %get3A_446 = tpu.vector_load %arg5[%get3A_445] {strides = array<i32>} : memref<1040xi32, #tpu.memory_space<vmem>>, vector<16xi32>,
        %slice3A = vector.extract_strided_slice %get3A_446 {offsets = [0], sizes = [1], strides = [1]} : vector<16xi32> to vector<1xi32>
        %squeeze3A = vector.extract %slice3A[0] : i32 from vector<1xi32>
        %ne3A_447 = arith.constant 0 : i32
        %ne3A_448 = arith.cmpi ne, %squeeze3A, %ne3A_447 : i32
        %select_n3A_449 = arith.select %ne3A_448, %add3A_441, %broadcast_in_dim3A_17 : vector<16xf32>
        %add3A_450 = arith.addf %scan3A_189, %select_n3A_449 : vector<16xf32>
        scf.yield %add3A_450 : vector<16xf32>
      }
      %scan3A_132 = arith.constant 32 : i32
      %add3A_133 = arith.constant 0 : i32
      %add3A_134 = vector.broadcast %add3A_133 : i32 to vector<16xi32>
      %add3A_135 = arith.addi %iota3A, %add3A_134 : vector<16xi32>
      %mul3A_136 = arith.constant 32 : i32
      %mul3A_137 = arith.muli %add3A_119, %mul3A_136 : i32
      %add3A_138 = arith.constant 0 : i32
      %add3A_139 = arith.addi %mul3A_137, %add3A_138 : i32
      %get3A_140 = arith.index_cast %add3A_139 : i32 to index
      %get3A_141 = tpu.vector_load %arg5[%get3A_140] {strides = array<i32>} : memref<1040xi32, #tpu.memory_space<vmem>>, vector<16xi32>,
      %gather3A_142 = tpu.vector_load_idx %arg7[%add3A_135, %get3A_141] : memref<32x1000xf32, #tpu.memory_space<vmem>>[vector<16xi32>, vector<16xi32>], vector<16xf32>,
      %gather3A_143 = tpu.vector_load_idx %arg7[%add3A_135, %broadcast_in_dim3A_19] : memref<32x1000xf32, #tpu.memory_space<vmem>>[vector<16xi32>, vector<16xi32>], vector<16xf32>,
      %ne3A_144 = arith.constant 0 : i32
      %ne3A_145 = vector.broadcast %ne3A_144 : i32 to vector<16xi32>
      %ne3A_146 = arith.cmpi ne, %get3A_141, %ne3A_145 : vector<16xi32>
      %select_n3A_147 = arith.select %ne3A_146, %gather3A_142, %broadcast_in_dim3A_17 : vector<16xi1>, vector<16xf32>
      %add3A_148 = arith.addf %add3A_102, %select_n3A_147 : vector<16xf32>
      %select_n3A_149 = arith.select %ne3A_146, %gather3A_143, %broadcast_in_dim3A_17 : vector<16xi1>, vector<16xf32>
      %add3A_150 = arith.addf %add3A_104, %select_n3A_149 : vector<16xf32>
      %jit3A_151 = arith.constant 1.000000e+00 : f32
      %jit3A_152 = arith.constant 0.000000e+00 : f32
      %broadcast_in_dim3A_153 = vector.broadcast %jit3A_151 : f32 to vector<16xf32>
      %broadcast_in_dim3A_154 = vector.broadcast %jit3A_152 : f32 to vector<16xf32>
      %select_n3A_155 = arith.select %ne3A_146, %broadcast_in_dim3A_153, %broadcast_in_dim3A_154 : vector<16xi1>, vector<16xf32>
      %add3A_156 = arith.addf %add3A_110, %select_n3A_155 : vector<16xf32>
      %add3A_157 = arith.constant 16 : i32
      %add3A_158 = vector.broadcast %add3A_157 : i32 to vector<16xi32>
      %add3A_159 = arith.addi %iota3A, %add3A_158 : vector<16xi32>
      %mul3A_160 = arith.constant 32 : i32
      %mul3A_161 = arith.muli %add3A_119, %mul3A_160 : i32
      %add3A_162 = arith.constant 16 : i32
      %add3A_163 = arith.addi %mul3A_161, %add3A_162 : i32
      %get3A_164 = arith.index_cast %add3A_163 : i32 to index
      %get3A_165 = tpu.vector_load %arg5[%get3A_164] {strides = array<i32>} : memref<1040xi32, #tpu.memory_space<vmem>>, vector<16xi32>,
      %gather3A_166 = tpu.vector_load_idx %arg7[%add3A_159, %get3A_165] : memref<32x1000xf32, #tpu.memory_space<vmem>>[vector<16xi32>, vector<16xi32>], vector<16xf32>,
      %gather3A_167 = tpu.vector_load_idx %arg7[%add3A_159, %broadcast_in_dim3A_19] : memref<32x1000xf32, #tpu.memory_space<vmem>>[vector<16xi32>, vector<16xi32>], vector<16xf32>,
      %ne3A_168 = arith.constant 0 : i32
      %ne3A_169 = vector.broadcast %ne3A_168 : i32 to vector<16xi32>
      %ne3A_170 = arith.cmpi ne, %get3A_165, %ne3A_169 : vector<16xi32>
      %select_n3A_171 = arith.select %ne3A_170, %gather3A_166, %broadcast_in_dim3A_17 : vector<16xi1>, vector<16xf32>
      %add3A_172 = arith.addf %add3A_148, %select_n3A_171 : vector<16xf32>
      %select_n3A_173 = arith.select %ne3A_170, %gather3A_167, %broadcast_in_dim3A_17 : vector<16xi1>, vector<16xf32>
      %add3A_174 = arith.addf %add3A_150, %select_n3A_173 : vector<16xf32>
      %jit3A_175 = arith.constant 1.000000e+00 : f32
      %jit3A_176 = arith.constant 0.000000e+00 : f32
      %broadcast_in_dim3A_177 = vector.broadcast %jit3A_175 : f32 to vector<16xf32>
      %broadcast_in_dim3A_178 = vector.broadcast %jit3A_176 : f32 to vector<16xf32>
      %select_n3A_179 = arith.select %ne3A_170, %broadcast_in_dim3A_177, %broadcast_in_dim3A_178 : vector<16xi1>, vector<16xf32>
      %add3A_180 = arith.addf %add3A_156, %select_n3A_179 : vector<16xf32>
      %add3A_181 = arith.constant 2 : i32
      %add3A_182 = arith.addi %add3A_119, %add3A_181 : i32
      %lt3A_183 = arith.constant 32 : i32
      %lt3A_184 = arith.cmpi slt, %add3A_182, %lt3A_183 : i32
      %convert_element_type3A_185 = arith.extui %lt3A_184 : i1 to i32
      %cond3A_186 = arith.constant 0 : i32
      %cond3A_187 = arith.cmpi ne, %convert_element_type3A_185, %cond3A_186 : i32
      scf.if %cond3A_187 {
        %add3A_188 = arith.constant 2 : i32
        %add3A_189 = arith.addi %add3A_119, %add3A_188 : i32
        %mul3A_190 = arith.constant 32 : i32
        %mul3A_191 = arith.muli %add3A_189, %mul3A_190 : i32
        %add3A_192 = arith.addi %mul3A_2, %mul3A_191 : i32
        %dma_start3A_193 = arith.constant 0 : i32
        %dma_start3A_194 = tpu.memref_slice %arg2[%add3A_192, %dma_start3A_193] : memref<32768x1000xf32, #tpu.memory_space<hbm>> -> memref<32x1000xf32, #tpu.memory_space<hbm>>
        %dma_start3A_195 = arith.constant 0 : i32
        %dma_start3A_196 = tpu.memref_slice %arg2[%add3A_192, %dma_start3A_195] : memref<32768x1000xf32, #tpu.memory_space<hbm>> -> memref<32x1000xf32, #tpu.memory_space<hbm>>
        tpu.enqueue_dma source(%dma_start3A_196 : memref<32x1000xf32, #tpu.memory_space<hbm>>) target(%arg7 : memref<32x1000xf32, #tpu.memory_space<vmem>>) target_semaphore(%arg10 : memref<!tpu.dma_semaphore, #tpu.memory_space<semaphore_mem>>)
      } else {
      }
      scf.yield %scan3A_131, %add3A_174, %add3A_172, %add3A_180 : vector<16xf32>, vector<16xf32>, vector<16xf32>, vector<16xf32>
    }
    %scan3A_32 = arith.constant 16 : i32
    %mul3A_33 = arith.constant -1.01565826 : f32
    %mul3A_34 = vector.broadcast %mul3A_33 : f32 to vector<16xf32>
    %mul3A_35 = arith.mulf %mul3A_34, %scan3A_31#3 : vector<16xf32>
    %sub3A = arith.subf %scan3A_31#0, %scan3A_31#1 : vector<16xf32>
    %mul3A_36 = arith.constant 1.00200399E-4 : f32
    %mul3A_37 = vector.broadcast %mul3A_36 : f32 to vector<16xf32>
    %mul3A_38 = arith.mulf %mul3A_37, %sub3A : vector<16xf32>
    %sub3A_39 = arith.subf %mul3A_35, %mul3A_38 : vector<16xf32>
    %mul3A_40 = arith.constant -0.89989978 : f32
    %mul3A_41 = vector.broadcast %mul3A_40 : f32 to vector<16xf32>
    %mul3A_42 = arith.mulf %mul3A_41, %scan3A_31#2 : vector<16xf32>
    %add3A_43 = arith.addf %sub3A_39, %mul3A_42 : vector<16xf32>
    %swap3A = arith.constant 0 : index
    %swap3A_44 = tpu.vector_load %arg8[%swap3A] {strides = array<i32>} : memref<16xf32, #tpu.memory_space<vmem>>, vector<16xf32>,
    tpu.vector_store %arg8[%swap3A], %add3A_43 {strides = array<i32>} : memref<16xf32, #tpu.memory_space<vmem>>, vector<16xf32>,
    "tpu.region"() ({
      %run_scoped3A = tpu.sem_alloc : memref<!tpu.dma_semaphore, #tpu.memory_space<semaphore_mem>>
      %dma_start3A_45 = arith.constant 0 : i32
      %dma_start3A_46 = tpu.memref_slice %arg4[%add3A, %dma_start3A_45] : memref<32x16xf32, #tpu.memory_space<hbm>> -> memref<1x16xf32, #tpu.memory_space<hbm>>
      %dma_start3A_47 = tpu.memref_squeeze %dma_start3A_46 : memref<1x16xf32, #tpu.memory_space<hbm>> -> memref<16xf32, #tpu.memory_space<hbm>>
      %dma_start3A_48 = arith.constant 0 : i32
      %dma_start3A_49 = tpu.memref_slice %arg4[%add3A, %dma_start3A_48] : memref<32x16xf32, #tpu.memory_space<hbm>> -> memref<1x16xf32, #tpu.memory_space<hbm>>
      %dma_start3A_50 = tpu.memref_squeeze %dma_start3A_49 : memref<1x16xf32, #tpu.memory_space<hbm>> -> memref<16xf32, #tpu.memory_space<hbm>>
      tpu.enqueue_dma source(%arg8 : memref<16xf32, #tpu.memory_space<vmem>>) target(%dma_start3A_50 : memref<16xf32, #tpu.memory_space<hbm>>) target_semaphore(%run_scoped3A : memref<!tpu.dma_semaphore, #tpu.memory_space<semaphore_mem>>)
      %dma_wait3A = arith.constant 0 : i32
      %dma_wait3A_51 = tpu.memref_slice %arg4[%add3A, %dma_wait3A] : memref<32x16xf32, #tpu.memory_space<hbm>> -> memref<1x16xf32, #tpu.memory_space<hbm>>
      %dma_wait3A_52 = tpu.memref_squeeze %dma_wait3A_51 : memref<1x16xf32, #tpu.memory_space<hbm>> -> memref<16xf32, #tpu.memory_space<hbm>>
      %dma_wait3A_53 = arith.constant 0 : i32
      %dma_wait3A_54 = tpu.memref_slice %arg4[%add3A, %dma_wait3A_53] : memref<32x16xf32, #tpu.memory_space<hbm>> -> memref<1x16xf32, #tpu.memory_space<hbm>>
      %dma_wait3A_55 = tpu.memref_squeeze %dma_wait3A_54 : memref<1x16xf32, #tpu.memory_space<hbm>> -> memref<16xf32, #tpu.memory_space<hbm>>
      tpu.wait_dma2 semaphore(%run_scoped3A : memref<!tpu.dma_semaphore, #tpu.memory_space<semaphore_mem>>) src(%arg8 : memref<16xf32, #tpu.memory_space<vmem>>) dst(%dma_wait3A_55 : memref<16xf32, #tpu.memory_space<hbm>>)
      tpu.yield
    }) : () -> ()
    return
  }
}

</mosaic_0001>

<sc_bundles>
// kernel: kernel.3.cloned.1.call-start
scs
__scs_entry_jumppad:
0x0: {  	(pc) =	sbr.rel $0x88, $3  }
0x1: {  	(tag) =	ssettag $0x0;
	lr =	simm.s32 $0x1  }
0x2: {  	[smem:$0x3F9F] =	sst lr;
	_ =	strace $0xD0000000  }
0x3: {  	_ = 	snop  }
0x4: {  	_ = 	snop  }
0x5: {  	_ = 	snop  }
0x6: {  	_ = 	snop  }
0x7: {  	_ = 	snop  }
__scs_overlays_trampoline_lowered:
0x8: {  	[smem:$0x3FAE] =	sst s0  }
0x9: {  	[smem:$0x3FAF] =	sst s1  }
0xa: {  	[smem:$0x3FB0] =	sst s2  }
0xb: {  	[smem:$0x3FB1] =	sst s3  }
0xc: {  	[smem:$0x3FB2] =	sst s4  }
0xd: {  	[smem:$0x3FB3] =	sst s5  }
0xe: {  	[smem:$0x3FB4] =	sst s6  }
0xf: {  	[smem:$0x3FB5] =	sst s7  }
0x10: {  	[smem:$0x3FB6] =	sst s8  }
0x11: {  	[smem:$0x3FB7] =	sst s9;
	s0 =	simm.s32 @!p0 $0x0  }
0x12: {  	s1 =	sld [smem:$0x3F9D];
	s0 =	simm.s32 @p0 $0x1  }
0x13: {  	[smem:$0x3FB8] =	sst s0;
	s0 =	simm.s32 @!p1 $0x0  }
0x14: {  	s2 =	sld [smem:$0x3F9C];
	s0 =	simm.s32 @p1 $0x1  }
0x15: {  	[smem:$0x3FB9] =	sst s0;
	s0 =	simm.s32 @!p2 $0x0  }
0x16: {  	s3 =	sld [smem:$0x3FDB];
	s0 =	simm.s32 @p2 $0x1  }
0x17: {  	s4 =	simm.s32 $0x1BF5;
	[smem:$0x3FBB] =	sst s0  }
0x18: {  	s0 =	sld [smem:$0x3F9E];
	_ =	swait.ge [sflag:s4], $0x0  }
0x19: {  	s7 =	sld [smem:$0x3F9F]  }
0x1a: {  	s8 =	sadd.s32 $0xFFFFE003, lr  }
0x1b: {  	s9 =	sadd.s32 $0xFFFFFEF7, lr;
	s5 =	simm.s32 $0xFFFFFFFF;
	p2 =	slt.u32 s8, $0xFFFFF086  }
0x1c: {  	p1 =	slt.u32 s9, $0xF7A;
	s5 =	simm.s32 @!p2 $0x0  }
0x1d: {  	s5 =	simm.s32 @p1 $0x1;
	p0 =	seq.s32 s7, s2  }
0x1e: {  	s7 =	smul.u32 @!p0 $0xF7A, s2;
	p2 =	seq.s32 @!p0 s5, $0x0  }
0x1f: {  	s9 =	smul.u32 $0xF7A, s1;
	s8 =	simm.s32 @!p0 $0x1BF5;
	p2 =	por !p2, p0  }
0x20: {  	[sflag:s8] =	ssyncset.s32 @!p0 $0xFFFFF086;
	s6 =	sadd.s32 @!p0 s3, s7;
	s7 =	simm.s32 @!p0 $0x108  }
0x21: {  	s3 =	sadd.s32 s3, s9;
	s6 =	sadd.s32 @!p0 $0x88, s6;
	s7 =	simm.s32 @p2 $0x1082  }
0x22: {  	[simem:s7], [sflag:s8] =	dma.local @!p0 [hbm:s6], $0xF7A  }
0x23: {  	s9 =	sor.u32 $0xD0000000, s2;
	s6 =	simm.s32 $0x108;
	_ =	swait.ge @!p0 [sflag:s8], $0x0  }
0x24: {  	s3 =	sadd.s32 $0x88, s3;
	s6 =	simm.s32 @!p1 $0x1082;
	[sflag:s4] =	ssyncset.s32 $0xFFFFF086  }
0x25: {  	[simem:s6], [sflag:s4] =	dma.local [hbm:s3], $0xF7A  }
0x26: {  	[smem:$0x3F9F] =	sst s1;
	(tag) =	ssettag s2;
	_ =	strace s9  }
0x27: {  	s1 =	sld [smem:$0x3FAF]  }
0x28: {  	s2 =	sld [smem:$0x3FB0]  }
0x29: {  	s4 =	sld [smem:$0x3FB2]  }
0x2a: {  	p0 =	seq.s32 s5, $0x0;
	s5 =	sld [smem:$0x3FB3]  }
0x2b: {  	s6 =	sld [smem:$0x3FB4]  }
0x2c: {  	s7 =	sld [smem:$0x3FB5]  }
0x2d: {  	s3 =	simm.s32 $0x108;
	s8 =	sld [smem:$0x3FB6]  }
0x2e: {  	s3 =	simm.s32 @!p0 $0x1082;
	s9 =	sld [smem:$0x3FB7]  }
0x2f: {  	lr =	sadd.s32 s0, s3;
	s0 =	sld [smem:$0x3FAE]  }
0x30: {  	s3 =	sld [smem:$0x3FB1]  }
0x31: {  	[smem:$0x3FBA] =	sst s10  }
0x32: {  	s10 =	sld [smem:$0x3FB8];
	_ =	sdelay $0x3  }
0x33: {  	p0 =	seq.s32 s10, $0x1;
	s10 =	sld [smem:$0x3FBA];
	_ =	sdelay $0x3  }
0x34: {  	[smem:$0x3FBA] =	sst s10  }
0x35: {  	s10 =	sld [smem:$0x3FB9];
	_ =	sdelay $0x3  }
0x36: {  	p1 =	seq.s32 s10, $0x1;
	s10 =	sld [smem:$0x3FBA];
	_ =	sdelay $0x3  }
0x37: {  	[smem:$0x3FBA] =	sst s10  }
0x38: {  	s10 =	sld [smem:$0x3FBB]  }
0x39: {  	_ = 	snop;
	(pc) =	sbr.ind lr, $3  }
0x3a: {  	_ = 	snop  }
0x3b: {  	_ = 	snop  }
0x3c: {  	p2 =	seq.s32 s10, $0x1;
	s10 =	sld [smem:$0x3FBA]  }
0x3d: {  	_ =	shalt  }
0x3e: {  	_ =	shalt  }
0x3f: {  	_ =	shalt  }
0x40: {  	_ =	shalt  }
0x41: {  	_ =	shalt  }
0x42: {  	_ =	shalt  }
0x43: {  	_ =	shalt  }
0x44: {  	_ =	shalt  }
0x45: {  	_ =	shalt  }
0x46: {  	_ =	shalt  }
0x47: {  	_ =	shalt  }
0x48: {  	_ =	shalt  }
0x49: {  	_ =	shalt  }
0x4a: {  	_ =	shalt  }
0x4b: {  	_ =	shalt  }
0x4c: {  	_ =	shalt  }
0x4d: {  	_ =	shalt  }
0x4e: {  	_ =	shalt  }
0x4f: {  	_ =	shalt  }
0x50: {  	_ =	shalt  }
0x51: {  	_ =	shalt  }
0x52: {  	_ =	shalt  }
0x53: {  	_ =	shalt  }
0x54: {  	_ =	shalt  }
0x55: {  	_ =	shalt  }
0x56: {  	_ =	shalt  }
0x57: {  	_ =	shalt  }
0x58: {  	_ =	shalt  }
0x59: {  	_ =	shalt  }
0x5a: {  	_ =	shalt  }
0x5b: {  	_ =	shalt  }
0x5c: {  	_ =	shalt  }
0x5d: {  	_ =	shalt  }
0x5e: {  	_ =	shalt  }
0x5f: {  	_ =	shalt  }
0x60: {  	_ =	shalt  }
0x61: {  	_ =	shalt  }
0x62: {  	_ =	shalt  }
0x63: {  	_ =	shalt  }
0x64: {  	_ =	shalt  }
0x65: {  	_ =	shalt  }
0x66: {  	_ =	shalt  }
0x67: {  	_ =	shalt  }
0x68: {  	_ =	shalt  }
0x69: {  	_ =	shalt  }
0x6a: {  	_ =	shalt  }
0x6b: {  	_ =	shalt  }
0x6c: {  	_ =	shalt  }
0x6d: {  	_ =	shalt  }
0x6e: {  	_ =	shalt  }
0x6f: {  	_ =	shalt  }
0x70: {  	_ =	shalt  }
0x71: {  	_ =	shalt  }
0x72: {  	_ =	shalt  }
0x73: {  	_ =	shalt  }
0x74: {  	_ =	shalt  }
0x75: {  	_ =	shalt  }
0x76: {  	_ =	shalt  }
0x77: {  	_ =	shalt  }
0x78: {  	_ =	shalt  }
0x79: {  	_ =	shalt  }
0x7a: {  	_ =	shalt  }
0x7b: {  	_ =	shalt  }
0x7c: {  	_ =	shalt  }
0x7d: {  	_ =	shalt  }
0x7e: {  	_ =	shalt  }
0x7f: {  	_ =	shalt  }
0x80: {  	_ =	shalt  }
0x81: {  	_ =	shalt  }
0x82: {  	_ =	shalt  }
0x83: {  	_ =	shalt  }
0x84: {  	_ =	shalt  }
0x85: {  	_ =	shalt  }
0x86: {  	_ =	shalt  }
0x87: {  	_ =	shalt  }
.Lfunc_end0:
.L_simem_size_0:
called_computation_lowered:
.L_overlay_start_0:
0x88: {  	s2 =	sld [smem:$0x3FD9]  }
0x89: {  	s3 =	sld [smem:$0x3FFE];
	_ =	sdelay $0x1  }
0x8a: {  	s1 =	srdreg.scid  }
0x8b: {  	s0 =	sand.u32 $0x1, s1  }
0x8c: {  	s16 =	sshll.u32 s0, $0xA;
	s2 =	sadd.s32 s3, s2  }
0x8d: {  	s2 =	sadd.s32 s2, s16  }
0x8e: {  	[smem:$0x3FC6] =	sst s2  }
0x8f: {  	_ = 	snop  }
0x90: {  	(tm) =	ssettm $0x1  }
0x91: {  	s17 =	sld [smem:$0x3FFB];
	_ =	sdelay $0x3  }
0x92: {  	_ =	strace s17  }
0x93: {  	s2 =	sld [smem:$0x3FFC];
	_ =	sdelay $0x3  }
0x94: {  	_ =	strace s2  }
0x95: {  	s2 =	sld [smem:$0x3FFD];
	_ =	sdelay $0x3  }
0x96: {  	_ =	strace s2  }
0x97: {  	_ =	strace $0x8FFFFFFF  }
0x98: {  	s18 =	sld [smem:$0x3FDB];
	_ =	sdelay $0x1  }
0x99: {  	s19 =	simm.s32 $_scs_section_size  }
0x9a: {  	s4 =	simm.s32 $_size__tile_overlayer_lowered;
	s5 =	simm.s32 $_tile_overlayer_lowered  }
0x9b: {  	s22 =	simm.s32 $0x1BFF;
	s21 =	sshll.u32 s5, $0x1;
	s2 =	sadd.s32 s19, s18  }
0x9c: {  	s6 =	simm.s32 $0x0;
	s20 =	sshll.u32 s4, $0x1;
	s4 =	sadd.s32 s21, s2  }
0x9d: {  	[timem:s6], [sflag:s22] =	dma.local [hbm:s4], s20  }
0x9e: {  	_ =	swait.ge [sflag:s22], s20  }
0x9f: {  	s3 =	ssub.s32 $0x0, s20;
	[sflag:s22] =	ssyncset.done $0x0  }
0xa0: {  	[sflag:s22] =	ssyncadd.s32 s3;
	_ =	sdelay $0x1  }
0xa1: {  	s23 =	simm.s32 $0x1B8B  }
0xa2: {  	_ =	swait.ge [sflag:s23], $0x1  }
0xa3: {  	[sflag:s23] =	ssyncset.done $0x0  }
0xa4: {  	s25 =	simm.s32 $0x1B8E;
	s24 =	sld [smem:$0x3FFE];
	[sflag:s23] =	ssyncadd.s32 $0xFFFFFFFF  }
0xa5: {  	s26 =	simm.s32 $execute0_lowered;
	[smem:$0x3FD2] =	sst s25  }
0xa6: {  	s4 =	sshll.u32 s26, $0x1;
	_ =	strace $0x80000046;
	[dreg:$0x1] =	wrdreg $0xFFFFFFFF  }
0xa7: {  	s28 =	simm.s32 $_size_execute0_lowered;
	s2 =	sadd.s32 s2, s4;
	[dreg:$0x0] =	wrdreg $0x0  }
0xa8: {  	s4 =	sshll.u32 s28, $0x1;
	[dreg:$0x2] =	wrdreg s2  }
0xa9: {  	[dreg:$0x3] =	wrdreg s4  }
0xaa: {  	[dreg:$0x4] =	wrdreg $0xC0  }
0xab: {  	_ =	task [dreg:s6], $0x5FFFF  }
0xac: {  	[dreg:$0x1] =	wrdreg $0xFFFFFFFF  }
0xad: {  	[dreg:$0x0] =	wrdreg $0x60  }
0xae: {  	[dreg:$0x2] =	wrdreg s24  }
0xaf: {  	[dreg:$0x3] =	wrdreg $0x9  }
0xb0: {  	_ =	task.clear_ibuf [dreg:s6], $0x4FFFF;
	_ =	strace $0x90000046  }
0xb1: {  	s29 =	simm.s32 $0x9;
	_ =	strace $0x80000048  }
0xb2: {  	_ =	swait.ge [sflag:s29], $0x1  }
0xb3: {  	[sflag:s29] =	ssyncadd.s32 $0xFFFFFFFF  }
0xb4: {  	_ =	strace $0x90000048  }
0xb5: {  	_ =	sfence  }
0xb6: {  	s30 =	sld [smem:$0x0];
	_ =	sdelay $0x2  }
0xb7: {  	s31 =	sshll.u32 s1, $0xD;
	s1 =	sshrl.u32 s1, $0x2  }
0xb8: {  	s3 =	sand.u32 $0x4000, s31;
	s1 =	sadd.s32 s1, s30  }
0xb9: {  	s0 =	sor.u32 s3, s0;
	s1 =	sshll.u32 s1, $0x11  }
0xba: {  	s0 =	sor.u32 s1, s0  }
0xbb: {  	s0 =	sadd.s32 $0x8F2B, s0  }
0xbc: {  	[sflag:s0] =	ssyncadd.remote.s32 $0x1  }
0xbd: {  	_ =	sfence.sel $0xFFFF  }
0xbe: {  	[dreg:$0x0] =	wrdreg $0xFFFFFFFF;
	(pc) =	sbr.abs _section_cstart, $3  }
0xbf: {  	[dreg:$0x1] =	wrdreg $0xFFFFFFFF  }
0xc0: {  	_ =	task.clear_ibuf [dreg:s6], $0x2FFFF;
	_ =	strace $0x9FFFFFFF  }
0xc1: {  	(tm) =	ssettm $0x7FFFFFFF  }
tec
execute0_lowered:
.L_overlay_start_1:
0x0: {  	(tag) =	ssettag $0x1  }
0x1: {  	v0 =	vimm.s32 $0x2380;
	vm1 =	vcmask $0x300  }
0x2: {  	v1 =	vimm.s32 $0x6380;
	vm2 =	vcmask $0x704;
	v0 =	vsel vm1, $0x0, v0  }
0x3: {  	vm15 =	vcmask $0xB08;
	v1 =	vsel vm1, $0x4000, v1;
	v0 =	vsel vm2, $0x80, v0  }
0x4: {  	vm4 =	vcmask $0xF0C;
	v1 =	vsel vm2, $0x4080, v1;
	v0 =	vsel vm15, $0x100, v0  }
0x5: {  	vm5 =	vcmask $0x1310;
	v1 =	vsel vm15, $0x4100, v1;
	v0 =	vsel vm4, $0x180, v0  }
0x6: {  	vm6 =	vcmask $0x1714;
	v1 =	vsel vm4, $0x4180, v1;
	v0 =	vsel vm5, $0x200, v0  }
0x7: {  	s3 =	rddreg [dreg:$0x0];
	vm7 =	vcmask $0x1B18;
	v1 =	vsel vm5, $0x4200, v1;
	v0 =	vsel vm6, $0x280, v0  }
0x8: {  	s0 =	rddreg [dreg:$0x1];
	s4 =	srdreg.scid;
	vm8 =	vcmask $0x1F1C;
	v1 =	vsel vm6, $0x4280, v1;
	v0 =	vsel vm7, $0x300, v0  }
0x9: {  	s1 =	stileid.u32;
	s2 =	simm.s32 $0x0;
	vm9 =	vcmask $0x2320;
	s10 =	simm.s32 $0x3;
	v1 =	vsel vm7, $0x4300, v1;
	v0 =	vsel vm8, $0x380, v0  }
0xa: {  	vm10 =	vcmask $0x2724;
	s11 =	simm.s32 $0x480;
	s12 =	simm.s32 $0x8480;
	s13 =	simm.s32 $0x1;
	v1 =	vsel vm8, $0x4380, v1;
	v0 =	vsel vm9, $0x2000, v0  }
0xb: {  	vm11 =	vcmask $0x2B28;
	s14 =	simm.s32 $0x2;
	s15 =	simm.s32 $0x10480;
	s16 =	simm.s32 $0x0;
	v1 =	vsel vm9, $0x6000, v1;
	v0 =	vsel vm10, $0x2080, v0  }
0xc: {  	vm12 =	vcmask $0x2F2C;
	s4 =	sand.u32 $0x1, s4;
	s5 =	sshll.u32 s1, $0x1;
	[smem:$0x7FF] =	sst s2;
	v1 =	vsel vm10, $0x6080, v1;
	v0 =	vsel vm11, $0x2100, v0  }
0xd: {  	vm13 =	vcmask $0x3330;
	s5 =	sor.u32 s4, s5;
	_ =	strace $0x80000047;
	s4 =	ssub.s32 $0x2, s4;
	v1 =	vsel vm11, $0x6100, v1;
	v0 =	vsel vm12, $0x2180, v0  }
.Ltmp0:
0xe: {  	vm14 =	vcmask $0x3734;
	s6 =	sshll.u32 s5, $0x11;
	s30 =	sshll.u32 s5, $0x4;
	v1 =	vsel vm12, $0x6180, v1;
	v0 =	vsel vm13, $0x2200, v0;
	(pc) =	sbr.rel .LBB2_1-.Ltmp0, $4  }
0xf: {  	s31 =	sshrl.u32 s4, $0x1;
	s5 =	sshll.u32 s5, $0x7;
	vm15 =	vcmask $0x3B38;
	s7 =	sadd.s32 s6, s3;
	v1 =	vsel vm13, $0x6200, v1;
	v0 =	vsel vm14, $0x2280, v0  }
0x10: {  	s8 =	sadd.s32 s30, s3;
	s9 =	ssub.s32 s4, s31;
	s3 =	sadd.s32 s3, s5;
	v2 =	vsel vm14, $0x6280, v1;
	v0 =	vsel vm15, $0x2300, v0  }
0x11: {  	v3 =	vimm.f32 $1.000000000e+00;
	vm0 =	vcmask $0x1F00;
	s4 =	sadd.s32 $0x1000, s7;
	s5 =	sadd.s32 $0x2000, s7;
	s6 =	sadd.s32 $0x3000, s7;
	[tilespmem:$0x1FFE0] =	vst v0;
	v0 =	vsel vm15, $0x6300, v2  }
0x12: {  	s7 =	sadd.s32 $0x4000, s7;
	s8 =	sadd.s32 $0x401000, s8;
	s9 =	smax.u32 s9, $0x1;
	v1 =	vsel vm0, $0x0, v3;
	[tilespmem:$0x1FFF0] =	vst v0  }
.LBB2_8:
0x13: {  	v0 =	vsub.f32 v7, v0;
	_ =	sdelay $0x1  }
0x14: {  	v2 =	vmul.f32 $-1.015658260e+00, v2;
	v0 =	vmul.f32 $-1.002003990e-04, v0;
	_ =	sdelay $0x1  }
0x15: {  	v0 =	vadd.f32 v0, v2;
	v2 =	vmul.f32 $-8.998997800e-01, v5;
	_ =	sdelay $0x1  }
0x16: {  	s16 =	sadd.s32 $0x1, s16;
	v0 =	vadd.f32 v2, v0  }
0x17: {  	p0 =	sne.s32 s16, s9  }
.Ltmp1:
0x18: {  	[tilespmem:$0x10480] =	vst v0;
	(pc) =	sbr.rel @!p0 .LBB2_9-.Ltmp1, $4  }
0x19: {  	[hbm4b:s8+s2] =	stream.linear.scatter [tilespmem:s15], [sflag:$0x3], $0x80, $0x38;
	[tilespmem:$0x10500] =	vst v63  }
0x1a: {  	_ =	swait.ge [sflag:s10], $0x80  }
0x1b: {  	[sflag:s10] =	ssyncset.done $0x0  }
0x1c: {  	[sflag:s10] =	ssyncadd.s32 $0xFFFFFF80  }
.LBB2_1:
0x1d: {  	[tilespmem:s2], [sflag:$0x3] =	stream.linear.gather [hbm4b:s3+s2], $0x400, $0x38;
	[tilespmem:$0x10500] =	vst v63  }
0x1e: {  	v0 =	vimm.f32 $0.0e+00;
	_ =	swait.ge [sflag:s10], $0x400  }
0x1f: {  	[sflag:s10] =	ssyncset.done $0x0;
	[tilespmem:$0x1FFB0] =	vst v0;
	v0 =	vimm.f32 $0.0e+00  }
0x20: {  	[sflag:s10] =	ssyncadd.s32 $0xFFFFFC00;
	[tilespmem:$0x1FFC0] =	vst v0  }
0x21: {  	v0 =	vimm.f32 $0.0e+00;
	[tilespmem:s11], [sflag:$0x1] =	stream.linear.gather [hbm4b:s4+s2], $0x8000, $0x38;
	[tilespmem:$0x10500] =	vst v63  }
0x22: {  	s17 =	simm.s32 $0x20;
	s18 =	simm.s32 $0x0;
	s19 =	simm.s32 $0x0;
	[tilespmem:$0x1FFD0] =	vst v0  }
0x23: {  	v7 =	vimm.f32 $0.0e+00;
	[tilespmem:s12], [sflag:$0x2] =	stream.linear.gather [hbm4b:s5+s2], $0x8000, $0x38;
	[tilespmem:$0x10500] =	vst v63  }
.LBB2_2:
0x24: {  	_ =	swait.ge [sflag:s13], $0x8000  }
0x25: {  	s21 =	simm.s32 $0x0;
	s20 =	simm.s32 $0x0;
	[sflag:s13] =	ssyncset.done $0x0  }
0x26: {  	s20 =	sand.u32 $0x6000, s20;
	s22 =	sand.u32 $0x380, s21;
	[sflag:s13] =	ssyncadd.s32 $0xFFFF8000  }
0x27: {  	s20 =	sor.u32 s22, s20;
	v3 =	vld [tilespmem:s18+$0x0]  }
0x28: {  	v23 =	vld [tilespmem:s20+$0x1CE0]  }
0x29: {  	v30 =	vld [tilespmem:s20+$0x1CA0]  }
0x2a: {  	v32 =	vld [tilespmem:s20+$0x1CC0]  }
0x2b: {  	v25 =	vld [tilespmem:s20+$0x1CD0]  }
0x2c: {  	v29 =	vld [tilespmem:s20+$0x1CF0]  }
0x2d: {  	v2 =	vld [tilespmem:s20+$0x18E0]  }
0x2e: {  	v28 =	vld [tilespmem:s20+$0x1C80]  }
0x2f: {  	v0 =	vld [tilespmem:s20+$0x1C90]  }
0x30: {  	v4 =	vld [tilespmem:s20+$0x18A0]  }
0x31: {  	v5 =	vld [tilespmem:s20+$0x18C0]  }
0x32: {  	v6 =	vld [tilespmem:s20+$0x14E0]  }
0x33: {  	v21 =	vld [tilespmem:s20+$0x1880]  }
0x34: {  	v19 =	vld [tilespmem:s20+$0x14A0]  }
0x35: {  	v20 =	vld [tilespmem:s20+$0x14C0]  }
0x36: {  	v17 =	vld [tilespmem:s20+$0x10E0]  }
0x37: {  	v18 =	vld [tilespmem:s20+$0x1480]  }
0x38: {  	v14 =	vld [tilespmem:s20+$0x10A0]  }
0x39: {  	v16 =	vld [tilespmem:s20+$0x10C0]  }
0x3a: {  	v13 =	vld [tilespmem:s20+$0xCE0]  }
0x3b: {  	v15 =	vld [tilespmem:s20+$0x1080]  }
0x3c: {  	v10 =	vld [tilespmem:s20+$0xCA0]  }
0x3d: {  	v12 =	vld [tilespmem:s20+$0xCC0]  }
0x3e: {  	v9 =	vld [tilespmem:s20+$0x8E0]  }
0x3f: {  	v11 =	vld [tilespmem:s20+$0xC80]  }
0x40: {  	v8 =	vld [tilespmem:s20+$0x8A0]  }
0x41: {  	v22 =	vld [tilespmem:s20+$0x8C0]  }
0x42: {  	v24 =	vld [tilespmem:s20+$0x4A0]  }
0x43: {  	v26 =	vld [tilespmem:s20+$0x4E0]  }
0x44: {  	v27 =	vld [tilespmem:s20+$0x880]  }
0x45: {  	v31 =	vld [tilespmem:s20+$0x480]  }
0x46: {  	v33 =	vld [tilespmem:s20+$0x490]  }
0x47: {  	v34 =	vld [tilespmem:s20+$0x4B0]  }
0x48: {  	v35 =	vld [tilespmem:s20+$0x4C0]  }
0x49: {  	v36 =	vld [tilespmem:s20+$0x4D0]  }
0x4a: {  	v37 =	vld [tilespmem:s20+$0x4F0]  }
0x4b: {  	v38 =	vld [tilespmem:s20+$0x890]  }
0x4c: {  	v39 =	vld [tilespmem:s20+$0x8B0]  }
0x4d: {  	v40 =	vld [tilespmem:s20+$0x8D0]  }
0x4e: {  	v41 =	vld [tilespmem:s20+$0x8F0]  }
0x4f: {  	v42 =	vld [tilespmem:s20+$0xC90]  }
0x50: {  	v43 =	vld [tilespmem:s20+$0xCB0]  }
0x51: {  	v44 =	vld [tilespmem:s20+$0xCD0]  }
0x52: {  	v45 =	vld [tilespmem:s20+$0xCF0]  }
0x53: {  	v46 =	vld [tilespmem:s20+$0x1090]  }
0x54: {  	v47 =	vld [tilespmem:s20+$0x10B0]  }
0x55: {  	v48 =	vld [tilespmem:s20+$0x10D0]  }
0x56: {  	v49 =	vld [tilespmem:s20+$0x10F0]  }
0x57: {  	v50 =	vld [tilespmem:s20+$0x1490]  }
0x58: {  	v51 =	vld [tilespmem:s20+$0x14B0]  }
0x59: {  	v52 =	vld [tilespmem:s20+$0x14D0]  }
0x5a: {  	v53 =	vld [tilespmem:s20+$0x14F0]  }
0x5b: {  	v54 =	vld [tilespmem:s20+$0x1890]  }
0x5c: {  	s30 =	sand.u32 $0x7, s21;
	v55 =	vld [tilespmem:s20+$0x18B0]  }
0x5d: {  	s22 =	sshll.u32 s30, $0x7;
	v56 =	vld [tilespmem:s20+$0x18D0]  }
0x5e: {  	s22 =	sadd.s32 $0x0, s22;
	v57 =	vld [tilespmem:s20+$0x18F0]  }
0x5f: {  	v58 =	vld [tilespmem:s20+$0x1CB0];
	s31 =	sor.u32 $0x1C20, s22  }
0x60: {  	s23 =	sor.u32 $0x1C00, s22;
	v59 =	vld [tilespmem:s31+$0x480]  }
0x61: {  	s24 =	sor.u32 $0x1C30, s22;
	v60 =	vld [tilespmem:s23+$0x480];
	s23 =	sor.u32 $0x1C10, s22  }
0x62: {  	s25 =	sor.u32 $0x1C58, s22;
	s26 =	sor.u32 $0x1C40, s22;
	s22 =	sor.u32 $0x1C50, s22;
	v61 =	vld [tilespmem:s23+$0x480]  }
0x63: {  	v63 =	vld [tilespmem:s22+$0x480];
	v31 =	vadd.f32 v35, v31;
	(v2sf) =	vpush v3, $0x0  }
0x64: {  	v3 =	vld [tilespmem:s24+$0x480];
	v33 =	vadd.f32 v36, v33;
	v34 =	vadd.f32 v37, v34  }
0x65: {  	s28 =	simm.s32 $0x80;
	v36 =	vld [tilespmem:s25+$0x480];
	v24 =	vadd.f32 v26, v24;
	s24 =	simm.s32 $0x400;
	v26 =	vadd.f32 v27, v31  }
0x66: {  	s20 =	sand.u32 $0x380, s28;
	s22 =	sadd.s32 $0x1, s18;
	v37 =	vld [tilespmem:s26+$0x480];
	s29 =	sand.u32 $0x6000, s24;
	v31 =	vadd.f32 v38, v33;
	v62 =	vadd.f32 v39, v34  }
0x67: {  	v24 =	vadd.f32 v8, v24;
	s23 =	sor.u32 s20, s29;
	v27 =	vld [tilespmem:s22+$0x0];
	v22 =	vadd.f32 v22, v26  }
0x68: {  	v8 =	vld [tilespmem:s23+$0x1CE0];
	v26 =	vadd.f32 v40, v31;
	v31 =	vadd.f32 v41, v62  }
0x69: {  	v33 =	vld [tilespmem:s23+$0x1080];
	v24 =	vadd.f32 v9, v24;
	v22 =	vadd.f32 v11, v22  }
0x6a: {  	v34 =	vld [tilespmem:s23+$0xCA0];
	v26 =	vadd.f32 v42, v26;
	v31 =	vadd.f32 v43, v31  }
0x6b: {  	v35 =	vld [tilespmem:s23+$0xCC0];
	v24 =	vadd.f32 v10, v24;
	v22 =	vadd.f32 v12, v22  }
0x6c: {  	v9 =	vld [tilespmem:s23+$0x1CA0];
	v26 =	vadd.f32 v44, v26;
	v31 =	vadd.f32 v45, v31  }
0x6d: {  	v41 =	vld [tilespmem:s23+$0x8E0];
	v24 =	vadd.f32 v13, v24;
	v22 =	vadd.f32 v15, v22  }
0x6e: {  	v11 =	vld [tilespmem:s23+$0x1CC0];
	v26 =	vadd.f32 v46, v26;
	v31 =	vadd.f32 v47, v31  }
0x6f: {  	v10 =	vld [tilespmem:s23+$0x1CD0];
	v24 =	vadd.f32 v14, v24;
	v22 =	vadd.f32 v16, v22  }
0x70: {  	v42 =	vld [tilespmem:s23+$0xC80];
	v26 =	vadd.f32 v48, v26;
	v31 =	vadd.f32 v49, v31  }
0x71: {  	v12 =	vld [tilespmem:s23+$0x1CF0];
	v24 =	vadd.f32 v17, v24;
	v22 =	vadd.f32 v18, v22  }
0x72: {  	v13 =	vld [tilespmem:s23+$0x18E0];
	v26 =	vadd.f32 v50, v26;
	v31 =	vadd.f32 v51, v31  }
0x73: {  	v15 =	vld [tilespmem:s23+$0x1C80];
	v24 =	vadd.f32 v19, v24;
	v22 =	vadd.f32 v20, v22  }
0x74: {  	v14 =	vld [tilespmem:s23+$0x1C90];
	v26 =	vadd.f32 v52, v26;
	v31 =	vadd.f32 v53, v31  }
0x75: {  	v16 =	vld [tilespmem:s23+$0x18A0];
	v6 =	vadd.f32 v6, v24;
	v24 =	vadd.f32 v21, v22  }
0x76: {  	v17 =	vld [tilespmem:s23+$0x18C0];
	v26 =	vadd.f32 v54, v26;
	v31 =	vadd.f32 v55, v31  }
0x77: {  	v49 =	vld [tilespmem:s23+$0x8A0];
	v4 =	vadd.f32 v4, v6;
	v5 =	vadd.f32 v5, v24  }
0x78: {  	v18 =	vld [tilespmem:s23+$0x14E0];
	v6 =	vadd.f32 v56, v26;
	v31 =	vadd.f32 v57, v31  }
0x79: {  	v19 =	vld [tilespmem:s23+$0x1880];
	v2 =	vadd.f32 v2, v4;
	v4 =	vadd.f32 v28, v5  }
0x7a: {  	v51 =	vld [tilespmem:s23+$0x8C0];
	v0 =	vadd.f32 v0, v6;
	v5 =	vadd.f32 v58, v31  }
0x7b: {  	v20 =	vld [tilespmem:s23+$0x14A0];
	v2 =	vadd.f32 v30, v2;
	v4 =	vadd.f32 v32, v4  }
0x7c: {  	v21 =	vld [tilespmem:s23+$0x14C0];
	v0 =	vadd.f32 v25, v0;
	v5 =	vadd.f32 v29, v5  }
0x7d: {  	v22 =	vld [tilespmem:s23+$0x10E0];
	v2 =	vadd.f32 v23, v2;
	v4 =	vadd.f32 v60, v4  }
0x7e: {  	v24 =	vld [tilespmem:s23+$0x1480];
	v0 =	vadd.f32 v61, v0;
	v3 =	vadd.f32 v3, v5;
	v5 =	vmul.f32 v1, v36  }
0x7f: {  	v26 =	vld [tilespmem:s23+$0x10A0];
	v2 =	vadd.f32 v59, v2;
	v4 =	vadd.f32 v37, v4  }
0x80: {  	v56 =	vld [tilespmem:s23+$0x4A0];
	v0 =	vadd.f32 v63, v0;
	v3 =	vadd.f32 v5, v3  }
0x81: {  	v28 =	vld [tilespmem:s23+$0x10C0]  }
0x82: {  	v31 =	vld [tilespmem:s23+$0xCE0];
	v0 =	vadd.f32 v0, v4;
	v2 =	vadd.f32 v3, v2  }
0x83: {  	v29 =	vld [tilespmem:s23+$0x4B0]  }
0x84: {  	s30 =	spop (v2sf);
	v59 =	vld [tilespmem:s23+$0x4E0];
	v0 =	vadd.f32 v2, v0  }
0x85: {  	p0 =	seq.s32 s30, $0x0;
	v60 =	vld [tilespmem:s23+$0x880]  }
0x86: {  	s31 =	sshll.u32 s19, $0x8;
	s25 =	simm.s32 $0xFFFF8400;
	v5 =	vld [tilespmem:s23+$0x480];
	v0 =	vpsel p0, $0x0, v0  }
0x87: {  	s26 =	simm.s32 $0x100;
	s24 =	simm.s32 $0x0;
	s20 =	sshra.s32 s31, $0x2;
	v3 =	vld [tilespmem:s23+$0x490];
	v7 =	vadd.f32 v0, v7  }
.LBB2_3:
0x88: {  	p0 =	sne.s32 s26, $0xF80;
	v0 =	vld [tilespmem:s23+$0x4C0]  }
0x89: {  	v2 =	vld [tilespmem:s23+$0x4D0]  }
0x8a: {  	v4 =	vld [tilespmem:s23+$0x4F0]  }
0x8b: {  	v6 =	vld [tilespmem:s23+$0x890]  }
0x8c: {  	v23 =	vld [tilespmem:s23+$0x8B0]  }
0x8d: {  	v25 =	vld [tilespmem:s23+$0x8D0]  }
0x8e: {  	v0 =	vadd.f32 v0, v5;
	v5 =	vld [tilespmem:s23+$0x8F0];
	(v2sf) =	vpush v27, $0x0  }
0x8f: {  	v2 =	vadd.f32 v2, v3;
	v3 =	vadd.f32 v4, v29;
	v4 =	vld [tilespmem:s23+$0xC90]  }
0x90: {  	v27 =	vadd.f32 v59, v56;
	v0 =	vadd.f32 v60, v0;
	v29 =	vld [tilespmem:s23+$0xCB0]  }
0x91: {  	v2 =	vadd.f32 v6, v2;
	v3 =	vadd.f32 v23, v3;
	v6 =	vld [tilespmem:s23+$0xCD0]  }
0x92: {  	v23 =	vadd.f32 v49, v27;
	v0 =	vadd.f32 v51, v0;
	v27 =	vld [tilespmem:s23+$0xCF0]  }
0x93: {  	v2 =	vadd.f32 v25, v2;
	v3 =	vadd.f32 v5, v3;
	v5 =	vld [tilespmem:s23+$0x1090]  }
0x94: {  	v23 =	vadd.f32 v41, v23;
	v0 =	vadd.f32 v42, v0;
	v25 =	vld [tilespmem:s23+$0x10B0]  }
0x95: {  	v2 =	vadd.f32 v4, v2;
	v3 =	vadd.f32 v29, v3;
	v4 =	vld [tilespmem:s23+$0x10D0]  }
0x96: {  	v23 =	vadd.f32 v34, v23;
	v0 =	vadd.f32 v35, v0;
	v29 =	vld [tilespmem:s23+$0x10F0]  }
0x97: {  	v2 =	vadd.f32 v6, v2;
	v3 =	vadd.f32 v27, v3;
	v6 =	vld [tilespmem:s23+$0x1490]  }
0x98: {  	v23 =	vadd.f32 v31, v23;
	v0 =	vadd.f32 v33, v0;
	v27 =	vld [tilespmem:s23+$0x14B0]  }
0x99: {  	v2 =	vadd.f32 v5, v2;
	v3 =	vadd.f32 v25, v3;
	v5 =	vld [tilespmem:s23+$0x14D0]  }
0x9a: {  	v23 =	vadd.f32 v26, v23;
	v0 =	vadd.f32 v28, v0;
	v25 =	vld [tilespmem:s23+$0x14F0]  }
0x9b: {  	s21 =	sadd.s32 $0x1, s21;
	v2 =	vadd.f32 v4, v2;
	v3 =	vadd.f32 v29, v3;
	v4 =	vld [tilespmem:s23+$0x1890]  }
0x9c: {  	s28 =	sand.u32 $0x7, s21;
	v22 =	vadd.f32 v22, v23;
	v0 =	vadd.f32 v24, v0;
	v23 =	vld [tilespmem:s23+$0x18B0]  }
0x9d: {  	s24 =	sadd.s32 $0x400, s24;
	s29 =	sshll.u32 s28, $0x7;
	v2 =	vadd.f32 v6, v2;
	v3 =	vadd.f32 v27, v3;
	v6 =	vld [tilespmem:s23+$0x18D0];
	s28 =	spop (v2sf)  }
0x9e: {  	s29 =	sadd.s32 s29, s24;
	v20 =	vadd.f32 v20, v22;
	v0 =	vadd.f32 v21, v0;
	v21 =	vld [tilespmem:s23+$0x18F0]  }
0x9f: {  	v2 =	vadd.f32 v5, v2;
	v3 =	vadd.f32 v25, v3;
	v5 =	vld [tilespmem:s23+$0x1CB0];
	s23 =	sor.u32 $0x1C20, s29  }
0xa0: {  	s30 =	sor.u32 $0x1C00, s29;
	v18 =	vadd.f32 v18, v20;
	v0 =	vadd.f32 v19, v0;
	v19 =	vld [tilespmem:s23+$0x480]  }
0xa1: {  	v2 =	vadd.f32 v4, v2;
	s23 =	sor.u32 $0x1C10, s29;
	v3 =	vadd.f32 v23, v3;
	v4 =	vld [tilespmem:s30+$0x480]  }
0xa2: {  	v16 =	vadd.f32 v16, v18;
	v0 =	vadd.f32 v17, v0;
	v17 =	vld [tilespmem:s23+$0x480];
	s23 =	sor.u32 $0x1C30, s29  }
0xa3: {  	v2 =	vadd.f32 v6, v2;
	v3 =	vadd.f32 v21, v3;
	v6 =	vld [tilespmem:s23+$0x480];
	s23 =	sor.u32 $0x1C58, s29  }
0xa4: {  	s25 =	sadd.s32 $0x400, s25;
	s30 =	sor.u32 $0x1C40, s29;
	v13 =	vadd.f32 v13, v16;
	v0 =	vadd.f32 v15, v0;
	v15 =	vld [tilespmem:s23+$0x480]  }
0xa5: {  	s29 =	sor.u32 $0x1C50, s29;
	s23 =	sadd.s32 $0x8000, s25;
	v2 =	vadd.f32 v14, v2;
	v3 =	vadd.f32 v5, v3;
	v5 =	vld [tilespmem:s30+$0x480]  }
0xa6: {  	s22 =	sadd.s32 $0x1, s22;
	s23 =	sand.u32 $0x6000, s23;
	s30 =	sand.u32 $0x380, s26;
	v9 =	vadd.f32 v9, v13;
	v0 =	vadd.f32 v11, v0;
	v13 =	vld [tilespmem:s29+$0x480]  }
0xa7: {  	s23 =	sor.u32 s30, s23;
	v2 =	vadd.f32 v10, v2;
	v27 =	vld [tilespmem:s22+$0x0];
	v3 =	vadd.f32 v12, v3  }
0xa8: {  	v10 =	vadd.f32 v8, v9;
	v0 =	vadd.f32 v4, v0;
	v8 =	vld [tilespmem:s23+$0x1CE0]  }
0xa9: {  	v2 =	vadd.f32 v17, v2;
	v9 =	vld [tilespmem:s23+$0x1CA0];
	v3 =	vadd.f32 v6, v3;
	v4 =	vmul.f32 v1, v15  }
0xaa: {  	v6 =	vadd.f32 v19, v10;
	v11 =	vld [tilespmem:s23+$0x1CC0];
	v0 =	vadd.f32 v5, v0  }
0xab: {  	v10 =	vld [tilespmem:s23+$0x1CD0];
	v2 =	vadd.f32 v13, v2;
	v3 =	vadd.f32 v4, v3  }
0xac: {  	v12 =	vld [tilespmem:s23+$0x1CF0]  }
0xad: {  	v13 =	vld [tilespmem:s23+$0x18E0];
	v0 =	vadd.f32 v2, v0;
	v2 =	vadd.f32 v3, v6  }
0xae: {  	v15 =	vld [tilespmem:s23+$0x1C80]  }
0xaf: {  	v14 =	vld [tilespmem:s23+$0x1C90];
	v0 =	vadd.f32 v2, v0  }
0xb0: {  	p1 =	seq.s32 s28, $0x0;
	v16 =	vld [tilespmem:s23+$0x18A0]  }
0xb1: {  	v17 =	vld [tilespmem:s23+$0x18C0];
	v0 =	vpsel p1, $0x0, v0  }
0xb2: {  	v18 =	vld [tilespmem:s23+$0x14E0];
	v7 =	vadd.f32 v0, v7  }
0xb3: {  	v19 =	vld [tilespmem:s23+$0x1880]  }
0xb4: {  	v20 =	vld [tilespmem:s23+$0x14A0]  }
0xb5: {  	v21 =	vld [tilespmem:s23+$0x14C0]  }
0xb6: {  	v22 =	vld [tilespmem:s23+$0x10E0]  }
0xb7: {  	v24 =	vld [tilespmem:s23+$0x1480]  }
0xb8: {  	v26 =	vld [tilespmem:s23+$0x10A0]  }
0xb9: {  	v28 =	vld [tilespmem:s23+$0x10C0]  }
0xba: {  	v31 =	vld [tilespmem:s23+$0xCE0]  }
0xbb: {  	v33 =	vld [tilespmem:s23+$0x1080]  }
0xbc: {  	v34 =	vld [tilespmem:s23+$0xCA0]  }
0xbd: {  	v35 =	vld [tilespmem:s23+$0xCC0]  }
0xbe: {  	v41 =	vld [tilespmem:s23+$0x8E0]  }
0xbf: {  	v42 =	vld [tilespmem:s23+$0xC80]  }
0xc0: {  	v49 =	vld [tilespmem:s23+$0x8A0]  }
0xc1: {  	v51 =	vld [tilespmem:s23+$0x8C0]  }
0xc2: {  	v56 =	vld [tilespmem:s23+$0x4A0]  }
.Ltmp2:
0xc3: {  	v59 =	vld [tilespmem:s23+$0x4E0];
	(pc) =	sbr.rel @p0 .LBB2_3-.Ltmp2, $4  }
0xc4: {  	v60 =	vld [tilespmem:s23+$0x880]  }
0xc5: {  	v5 =	vld [tilespmem:s23+$0x480]  }
0xc6: {  	v3 =	vld [tilespmem:s23+$0x490]  }
0xc7: {  	s26 =	sadd.s32 $0x80, s26;
	v29 =	vld [tilespmem:s23+$0x4B0]  }
0xc8: {  	v0 =	vld [tilespmem:s23+$0x4C0]  }
0xc9: {  	v2 =	vld [tilespmem:s23+$0x4D0]  }
0xca: {  	v4 =	vld [tilespmem:s23+$0x4F0]  }
0xcb: {  	v6 =	vld [tilespmem:s23+$0x890]  }
0xcc: {  	v23 =	vld [tilespmem:s23+$0x8B0]  }
0xcd: {  	v25 =	vld [tilespmem:s23+$0x8D0]  }
0xce: {  	v46 =	vld [tilespmem:s20+$0x0]  }
0xcf: {  	v45 =	vld [tilespmem:s20+$0x10]  }
0xd0: {  	v30 =	vld [tilespmem:s23+$0x8F0]  }
0xd1: {  	v32 =	vld [tilespmem:s23+$0xC90]  }
0xd2: {  	v36 =	vld [tilespmem:s23+$0xCB0]  }
0xd3: {  	v37 =	vld [tilespmem:s23+$0xCD0];
	(v2sf) =	vpush v27, $0x0  }
0xd4: {  	v38 =	vld [tilespmem:s23+$0xCF0];
	v27 =	vmovc v46;
	[tilespmem:$0x1FF50] =	vst v46;
	v46 =	vshll.u32 v46, $0x3;
	v50 =	vshll.u32 v45, $0x3;
	v61 =	vand.u32 $0x7F, v45  }
0xd5: {  	v39 =	vld [tilespmem:s23+$0x1090];
	v48 =	vand.u32 $0x7F, v27;
	v46 =	vand.u32 $0xFFFFFC00, v46;
	v50 =	vand.u32 $0xFFFFFC00, v50  }
0xd6: {  	v46 =	vor.u32 v48, v46;
	v48 =	vor.u32 v61, v50;
	v61 =	vld [tilespmem:$0x1FFF0]  }
0xd7: {  	v40 =	vld [tilespmem:s23+$0x10B0]  }
0xd8: {  	v43 =	vld [tilespmem:s23+$0x10D0]  }
0xd9: {  	v44 =	vld [tilespmem:s23+$0x10F0]  }
0xda: {  	v53 =	vld [tilespmem:s23+$0x1490]  }
0xdb: {  	v47 =	vld [tilespmem:s23+$0x14B0];
	v50 =	vadd.s32 v61, v48  }
0xdc: {  	v27 =	vld [tilespmem:$0x1FFE0]  }
0xdd: {  	v57 =	vld [tilespmem:s23+$0x14D0]  }
0xde: {  	v52 =	vld [tilespmem:s23+$0x14F0]  }
0xdf: {  	v55 =	vld [tilespmem:s23+$0x1890]  }
0xe0: {  	s21 =	sadd.s32 $0x1, s21;
	v62 =	vld.idx.msk [tilespmem:v50+s11+$0x0], $0xffff  }
0xe1: {  	v54 =	vld [tilespmem:s23+$0x18D0];
	s21 =	sand.u32 $0x7, s21  }
0xe2: {  	s22 =	sadd.s32 $0x400, s24;
	v58 =	vld [tilespmem:s23+$0x1CB0];
	s21 =	sshll.u32 s21, $0x7;
	v46 =	vadd.s32 v27, v46  }
0xe3: {  	s21 =	sadd.s32 s21, s22;
	[tilespmem:$0x1FF80] =	vst v45;
	v45 =	vld [tilespmem:s23+$0x18B0]  }
0xe4: {  	s29 =	sor.u32 $0x1C40, s21;
	v27 =	vld.idx.msk [tilespmem:v27+s11+$0x0], $0xffff  }
0xe5: {  	s22 =	sor.u32 $0x1C20, s21;
	[tilespmem:$0x1FF90] =	vst v62;
	v62 =	vld [tilespmem:s29+$0x480]  }
0xe6: {  	v63 =	vld [tilespmem:s22+$0x480]  }
0xe7: {  	s31 =	sor.u32 $0x1C00, s21;
	v46 =	vld.idx.msk [tilespmem:v46+s11+$0x0], $0xffff  }
0xe8: {  	s24 =	sor.u32 $0x1C10, s21;
	v50 =	vld [tilespmem:s31+$0x480]  }
0xe9: {  	s25 =	sor.u32 $0x1C30, s21;
	s26 =	sor.u32 $0x1C58, s21;
	s21 =	sor.u32 $0x1C50, s21;
	[tilespmem:$0x1FF70] =	vst v27;
	v27 =	vld.idx.msk [tilespmem:v61+s11+$0x0], $0xffff  }
0xea: {  	[tilespmem:$0x1FDC0] =	vst v62;
	v62 =	vld [tilespmem:s21+$0x480]  }
0xeb: {  	[tilespmem:$0x1FDB0] =	vst v63;
	v63 =	vld [tilespmem:s24+$0x480]  }
0xec: {  	p0 =	seq.s32 s19, $0xF;
	v48 =	vld [tilespmem:s23+$0x18F0];
	[tilespmem:$0x1FF60] =	vst v46;
	s21 =	sshll.u32 s19, $0xD  }
0xed: {  	s24 =	simm.s32 @!p0 $0x480;
	s23 =	simm.s32 @!p0 $0x0;
	v46 =	vld [tilespmem:s26+$0x480];
	[tilespmem:$0x1FDA0] =	vst v50;
	s22 =	sadd.s32 @!p0 s21, s6  }
0xee: {  	[tilespmem:$0x1FFA0] =	vst v27;
	v50 =	vld [tilespmem:s25+$0x480];
	[tilespmem:s24], [sflag:$0x1] =	stream.linear.gather @!p0 [hbm4b:s22+s23], $0x8000, $0x38  }
0xef: {  	s25 =	spop (v2sf);
	[tilespmem:$0x1FDD0] =	vst v62  }
0xf0: {  	s30 =	simm.s32 $0x0;
	s22 =	simm.s32 $0x0;
	_ =	swait.ge [sflag:s14], $0x8000  }
0xf1: {  	s23 =	sand.u32 $0x6000, s30;
	s31 =	sand.u32 $0x380, s22;
	[sflag:s14] =	ssyncset.done $0x0  }
0xf2: {  	s23 =	sor.u32 s31, s23;
	[sflag:s14] =	ssyncadd.s32 $0xFFFF8000  }
0xf3: {  	v27 =	vld [tilespmem:s23+$0x9CE0];
	_ =	sdelay $0x4  }
0xf4: {  	[tilespmem:$0x1FF40] =	vst v27;
	v27 =	vld [tilespmem:s23+$0x9CA0];
	_ =	sdelay $0x4  }
0xf5: {  	[tilespmem:$0x1FF00] =	vst v27;
	v27 =	vld [tilespmem:s23+$0x9CC0];
	_ =	sdelay $0x4  }
0xf6: {  	[tilespmem:$0x1FF10] =	vst v27;
	v27 =	vld [tilespmem:s23+$0x9CD0];
	_ =	sdelay $0x4  }
0xf7: {  	[tilespmem:$0x1FF20] =	vst v27;
	v27 =	vld [tilespmem:s23+$0x9CF0];
	_ =	sdelay $0x4  }
0xf8: {  	[tilespmem:$0x1FF30] =	vst v27;
	v27 =	vld [tilespmem:s23+$0x98E0];
	_ =	sdelay $0x4  }
0xf9: {  	[tilespmem:$0x1FED0] =	vst v27;
	v27 =	vld [tilespmem:s23+$0x9C80];
	_ =	sdelay $0x4  }
0xfa: {  	[tilespmem:$0x1FEE0] =	vst v27;
	v27 =	vld [tilespmem:s23+$0x9C90];
	_ =	sdelay $0x4  }
0xfb: {  	[tilespmem:$0x1FEF0] =	vst v27;
	v27 =	vld [tilespmem:s23+$0x98A0];
	_ =	sdelay $0x4  }
0xfc: {  	[tilespmem:$0x1FEB0] =	vst v27;
	v27 =	vld [tilespmem:s23+$0x98C0];
	_ =	sdelay $0x4  }
0xfd: {  	[tilespmem:$0x1FEC0] =	vst v27;
	v27 =	vld [tilespmem:s23+$0x94E0];
	_ =	sdelay $0x4  }
0xfe: {  	[tilespmem:$0x1FE90] =	vst v27;
	v27 =	vld [tilespmem:s23+$0x9880];
	_ =	sdelay $0x1  }
0xff: {  	v2 =	vadd.f32 v2, v3  }
0x100: {  	v3 =	vadd.f32 v4, v29;
	v29 =	vadd.f32 v59, v56;
	_ =	sdelay $0x1  }
0x101: {  	v3 =	vadd.f32 v23, v3;
	v23 =	vadd.f32 v49, v29;
	[tilespmem:$0x1FEA0] =	vst v27;
	v27 =	vld [tilespmem:s23+$0x94A0]  }
0x102: {  	v2 =	vadd.f32 v6, v2  }
0x103: {  	v23 =	vadd.f32 v41, v23  }
0x104: {  	v2 =	vadd.f32 v25, v2  }
0x105: {  	v23 =	vadd.f32 v34, v23  }
0x106: {  	v2 =	vadd.f32 v32, v2;
	[tilespmem:$0x1FE70] =	vst v27;
	v27 =	vld [tilespmem:s23+$0x94C0]  }
0x107: {  	v23 =	vadd.f32 v31, v23  }
0x108: {  	v2 =	vadd.f32 v37, v2  }
0x109: {  	v23 =	vadd.f32 v26, v23  }
0x10a: {  	v2 =	vadd.f32 v39, v2  }
0x10b: {  	v22 =	vadd.f32 v22, v23;
	[tilespmem:$0x1FE80] =	vst v27;
	v27 =	vld [tilespmem:s23+$0x90E0]  }
0x10c: {  	v2 =	vadd.f32 v43, v2  }
0x10d: {  	v20 =	vadd.f32 v20, v22  }
0x10e: {  	v2 =	vadd.f32 v53, v2  }
0x10f: {  	v18 =	vadd.f32 v18, v20  }
0x110: {  	v2 =	vadd.f32 v57, v2;
	[tilespmem:$0x1FE50] =	vst v27;
	v27 =	vld [tilespmem:s23+$0x9480]  }
0x111: {  	v16 =	vadd.f32 v16, v18  }
0x112: {  	v2 =	vadd.f32 v55, v2  }
0x113: {  	v13 =	vadd.f32 v13, v16  }
0x114: {  	v2 =	vadd.f32 v54, v2  }
0x115: {  	v0 =	vadd.f32 v0, v5;
	v9 =	vadd.f32 v9, v13;
	[tilespmem:$0x1FE60] =	vst v27;
	v27 =	vld [tilespmem:s23+$0x90A0]  }
0x116: {  	v2 =	vadd.f32 v14, v2  }
0x117: {  	v0 =	vadd.f32 v60, v0;
	v8 =	vadd.f32 v8, v9;
	v9 =	vld [tilespmem:$0x1FDA0]  }
0x118: {  	v2 =	vadd.f32 v10, v2;
	v10 =	vld [tilespmem:$0x1FDB0]  }
0x119: {  	v0 =	vadd.f32 v51, v0;
	v61 =	vld [tilespmem:s17+$0x0]  }
0x11a: {  	[tilespmem:$0x1FE30] =	vst v27;
	v27 =	vld [tilespmem:s23+$0x90C0]  }
0x11b: {  	v0 =	vadd.f32 v42, v0;
	v62 =	vld [tilespmem:s23+$0x88E0]  }
0x11c: {  	v5 =	vld [tilespmem:s23+$0x88C0]  }
0x11d: {  	v0 =	vadd.f32 v35, v0;
	v4 =	vld [tilespmem:s23+$0x84A0]  }
0x11e: {  	v3 =	vadd.f32 v30, v3;
	v56 =	vld [tilespmem:s23+$0x84E0]  }
0x11f: {  	v0 =	vadd.f32 v33, v0;
	[tilespmem:$0x1FE40] =	vst v27;
	v27 =	vld [tilespmem:s23+$0x8CE0]  }
0x120: {  	v3 =	vadd.f32 v36, v3;
	v6 =	vld [tilespmem:s23+$0x8880]  }
0x121: {  	v0 =	vadd.f32 v28, v0;
	v29 =	vld [tilespmem:s23+$0x8480]  }
0x122: {  	v3 =	vadd.f32 v38, v3;
	v25 =	vld [tilespmem:s23+$0x8490]  }
0x123: {  	v0 =	vadd.f32 v24, v0;
	v30 =	vld [tilespmem:s23+$0x84B0]  }
0x124: {  	v3 =	vadd.f32 v40, v3;
	[tilespmem:$0x1FE10] =	vst v27;
	v27 =	vld [tilespmem:s23+$0x9080]  }
0x125: {  	v0 =	vadd.f32 v21, v0;
	v32 =	vld [tilespmem:s23+$0x84C0]  }
0x126: {  	v3 =	vadd.f32 v44, v3;
	v34 =	vld [tilespmem:s23+$0x84D0]  }
0x127: {  	v0 =	vadd.f32 v19, v0;
	v35 =	vld [tilespmem:s23+$0x84F0]  }
0x128: {  	v3 =	vadd.f32 v47, v3;
	v31 =	vld [tilespmem:s23+$0x8890]  }
0x129: {  	v0 =	vadd.f32 v17, v0;
	[tilespmem:$0x1FE20] =	vst v27;
	v27 =	vld [tilespmem:s23+$0x8CA0]  }
0x12a: {  	v3 =	vadd.f32 v52, v3;
	v33 =	vld [tilespmem:s23+$0x88B0]  }
0x12b: {  	v0 =	vadd.f32 v15, v0;
	v26 =	vld [tilespmem:s23+$0x88D0]  }
0x12c: {  	v3 =	vadd.f32 v45, v3;
	v8 =	vadd.f32 v10, v8;
	v10 =	vld [tilespmem:$0x1FDC0]  }
0x12d: {  	v0 =	vadd.f32 v11, v0;
	v28 =	vld [tilespmem:s23+$0x88F0]  }
0x12e: {  	v3 =	vadd.f32 v48, v3;
	[tilespmem:$0x1FDF0] =	vst v27;
	v27 =	vld [tilespmem:s23+$0x8CC0]  }
0x12f: {  	v23 =	vld [tilespmem:s23+$0x8C90];
	v0 =	vadd.f32 v9, v0  }
0x130: {  	v3 =	vadd.f32 v58, v3;
	v24 =	vld [tilespmem:s23+$0x8CB0]  }
0x131: {  	v0 =	vadd.f32 v10, v0;
	v10 =	vld [tilespmem:$0x1FDD0]  }
0x132: {  	v3 =	vadd.f32 v12, v3;
	v21 =	vld [tilespmem:s23+$0x8CD0]  }
0x133: {  	[tilespmem:$0x1FE00] =	vst v27;
	v27 =	vld [tilespmem:s23+$0x8C80]  }
0x134: {  	v2 =	vadd.f32 v63, v2;
	v3 =	vadd.f32 v50, v3;
	v22 =	vld [tilespmem:s23+$0x8CF0];
	v9 =	vmul.f32 v1, v46  }
0x135: {  	v19 =	vld [tilespmem:s23+$0x9090]  }
0x136: {  	v20 =	vld [tilespmem:s23+$0x90B0];
	v3 =	vadd.f32 v9, v3;
	v2 =	vadd.f32 v10, v2  }
0x137: {  	v17 =	vld [tilespmem:s23+$0x90D0]  }
0x138: {  	v0 =	vadd.f32 v2, v0;
	v2 =	vadd.f32 v3, v8;
	[tilespmem:$0x1FDE0] =	vst v27;
	v27 =	vld [tilespmem:s23+$0x88A0]  }
0x139: {  	v18 =	vld [tilespmem:s23+$0x90F0]  }
0x13a: {  	v59 =	vld [tilespmem:s23+$0x9490];
	v0 =	vadd.f32 v2, v0;
	v2 =	vadd.f32 v32, v29  }
0x13b: {  	v60 =	vld [tilespmem:s23+$0x94B0];
	v4 =	vadd.f32 v56, v4;
	v8 =	vadd.f32 v34, v25  }
0x13c: {  	v9 =	vadd.f32 v35, v30;
	v2 =	vadd.f32 v6, v2;
	v10 =	vld [tilespmem:$0x1FDF0]  }
0x13d: {  	v48 =	vld [tilespmem:s23+$0x94D0];
	v6 =	vadd.f32 v31, v8;
	v4 =	vadd.f32 v27, v4  }
0x13e: {  	v8 =	vadd.f32 v33, v9;
	v2 =	vadd.f32 v5, v2;
	v11 =	vld [tilespmem:$0x1FE10]  }
0x13f: {  	v5 =	vadd.f32 v26, v6;
	v9 =	vld [tilespmem:$0x1FDE0];
	v4 =	vadd.f32 v62, v4  }
0x140: {  	v14 =	vld [tilespmem:$0x1FE30]  }
0x141: {  	v5 =	vadd.f32 v23, v5;
	v4 =	vadd.f32 v10, v4;
	v10 =	vld [tilespmem:$0x1FE00]  }
0x142: {  	v49 =	vld [tilespmem:s23+$0x94F0]  }
0x143: {  	v5 =	vadd.f32 v21, v5;
	v13 =	vld [tilespmem:$0x1FE20];
	v4 =	vadd.f32 v11, v4  }
0x144: {  	v51 =	vld [tilespmem:s23+$0x9890];
	v6 =	vadd.f32 v28, v8;
	v2 =	vadd.f32 v9, v2  }
0x145: {  	v5 =	vadd.f32 v19, v5;
	v4 =	vadd.f32 v14, v4;
	v14 =	vld [tilespmem:$0x1FE40]  }
0x146: {  	v52 =	vld [tilespmem:s23+$0x98B0];
	v6 =	vadd.f32 v24, v6;
	v2 =	vadd.f32 v10, v2  }
0x147: {  	v5 =	vadd.f32 v17, v5;
	v17 =	vld [tilespmem:$0x1FE60]  }
0x148: {  	v53 =	vld [tilespmem:s23+$0x98D0];
	v6 =	vadd.f32 v22, v6;
	v2 =	vadd.f32 v13, v2  }
0x149: {  	v19 =	vld [tilespmem:$0x1FE80]  }
0x14a: {  	v6 =	vadd.f32 v20, v6;
	v16 =	vld [tilespmem:$0x1FE50];
	v2 =	vadd.f32 v14, v2  }
0x14b: {  	v21 =	vld [tilespmem:$0x1FEA0]  }
0x14c: {  	v6 =	vadd.f32 v18, v6;
	v18 =	vld [tilespmem:$0x1FE70];
	v2 =	vadd.f32 v17, v2  }
0x14d: {  	v23 =	vld [tilespmem:$0x1FEC0]  }
0x14e: {  	v20 =	vld [tilespmem:$0x1FE90];
	v2 =	vadd.f32 v19, v2  }
0x14f: {  	s26 =	sand.u32 $0x7, s22;
	v54 =	vld [tilespmem:s23+$0x98F0];
	v4 =	vadd.f32 v16, v4  }
0x150: {  	s24 =	sshll.u32 s26, $0x7;
	v22 =	vld [tilespmem:$0x1FEB0];
	v2 =	vadd.f32 v21, v2  }
0x151: {  	s24 =	sadd.s32 $0x0, s24;
	v55 =	vld [tilespmem:s23+$0x9CB0];
	v4 =	vadd.f32 v18, v4  }
0x152: {  	s29 =	sor.u32 $0x1C00, s24;
	v2 =	vadd.f32 v23, v2;
	v23 =	vld [tilespmem:$0x1FED0]  }
0x153: {  	v57 =	vld [tilespmem:s29+$0x8480];
	s29 =	sor.u32 $0x1C58, s24;
	v4 =	vadd.f32 v20, v4  }
0x154: {  	s26 =	sor.u32 $0x1C20, s24;
	v30 =	vld [tilespmem:s29+$0x8480]  }
0x155: {  	s31 =	sor.u32 $0x1C30, s24;
	v3 =	vld [tilespmem:s26+$0x8480];
	v4 =	vadd.f32 v22, v4  }
0x156: {  	v25 =	vld [tilespmem:s31+$0x8480]  }
0x157: {  	s28 =	simm.s32 $0x400;
	s30 =	sor.u32 $0x1C10, s24;
	v4 =	vadd.f32 v23, v4;
	v23 =	vld [tilespmem:$0x1FEE0]  }
0x158: {  	s29 =	sor.u32 $0x1C50, s24;
	s31 =	simm.s32 $0x80;
	v29 =	vld [tilespmem:s30+$0x8480];
	s30 =	sor.u32 $0x1C40, s24  }
0x159: {  	s26 =	sand.u32 $0x380, s31;
	s24 =	sadd.s32 $0x1, s17;
	v58 =	vld [tilespmem:s30+$0x8480];
	s30 =	sand.u32 $0x6000, s28;
	v5 =	vadd.f32 v59, v5  }
0x15a: {  	v26 =	vld [tilespmem:s24+$0x0];
	s23 =	sor.u32 s26, s30  }
0x15b: {  	v5 =	vadd.f32 v48, v5;
	v8 =	vld [tilespmem:s23+$0x9CE0]  }
0x15c: {  	v2 =	vadd.f32 v23, v2;
	v23 =	vld [tilespmem:$0x1FEF0]  }
0x15d: {  	v5 =	vadd.f32 v51, v5;
	v12 =	vld [tilespmem:s23+$0x9CC0]  }
0x15e: {  	v15 =	vld [tilespmem:s23+$0x9C80]  }
0x15f: {  	v5 =	vadd.f32 v53, v5;
	v24 =	vld [tilespmem:s23+$0x9480]  }
0x160: {  	v28 =	vld [tilespmem:s23+$0x90A0]  }
0x161: {  	v5 =	vadd.f32 v23, v5;
	v23 =	vld [tilespmem:$0x1FF00]  }
0x162: {  	v31 =	vld [tilespmem:s23+$0x90C0]  }
0x163: {  	v33 =	vld [tilespmem:s23+$0x8CE0]  }
0x164: {  	v34 =	vld [tilespmem:s23+$0x9080]  }
0x165: {  	v35 =	vld [tilespmem:s23+$0x8CA0]  }
0x166: {  	v4 =	vadd.f32 v23, v4;
	v23 =	vld [tilespmem:$0x1FF10]  }
0x167: {  	v36 =	vld [tilespmem:s23+$0x8CC0]  }
0x168: {  	v32 =	vld [tilespmem:s23+$0x8480]  }
0x169: {  	v37 =	vld [tilespmem:s23+$0x84B0]  }
0x16a: {  	v27 =	vld [tilespmem:s29+$0x8480]  }
0x16b: {  	v6 =	vadd.f32 v60, v6;
	v2 =	vadd.f32 v23, v2;
	v23 =	vld [tilespmem:$0x1FF20]  }
0x16c: {  	v9 =	vld [tilespmem:s23+$0x9CA0]  }
0x16d: {  	v6 =	vadd.f32 v49, v6;
	v11 =	vld [tilespmem:s23+$0x9CF0]  }
0x16e: {  	v10 =	vld [tilespmem:s23+$0x9CD0]  }
0x16f: {  	v6 =	vadd.f32 v52, v6;
	v16 =	vld [tilespmem:s23+$0x98A0]  }
0x170: {  	v5 =	vadd.f32 v23, v5;
	v23 =	vld [tilespmem:$0x1FF30]  }
0x171: {  	v6 =	vadd.f32 v54, v6;
	v13 =	vld [tilespmem:s23+$0x98E0]  }
0x172: {  	v18 =	vld [tilespmem:s23+$0x94E0]  }
0x173: {  	v6 =	vadd.f32 v55, v6;
	v14 =	vld [tilespmem:s23+$0x9C90]  }
0x174: {  	v20 =	vld [tilespmem:s23+$0x94A0]  }
0x175: {  	v6 =	vadd.f32 v23, v6;
	v23 =	vld [tilespmem:$0x1FF40]  }
0x176: {  	(v2sf) =	vpush v61, $0x0;
	v5 =	vadd.f32 v29, v5;
	v29 =	vld [tilespmem:$0x1FF50]  }
0x177: {  	v17 =	vld [tilespmem:s23+$0x98C0]  }
0x178: {  	v22 =	vld [tilespmem:s23+$0x90E0]  }
0x179: {  	v19 =	vld [tilespmem:s23+$0x9880];
	v2 =	vadd.f32 v57, v2  }
0x17a: {  	v21 =	vld [tilespmem:s23+$0x94C0];
	v6 =	vadd.f32 v25, v6;
	v25 =	vmul.f32 v1, v30;
	v4 =	vadd.f32 v23, v4  }
0x17b: {  	v5 =	vadd.f32 v27, v5;
	v27 =	vld [tilespmem:$0x1FF80];
	vm0 =	veq.s32 v29, $0x0;
	v29 =	vadd.f32 v58, v2  }
0x17c: {  	v2 =	vld [tilespmem:s23+$0x8C80];
	v6 =	vadd.f32 v25, v6;
	v4 =	vadd.f32 v3, v4  }
0x17d: {  	v25 =	vld [tilespmem:s23+$0x84A0]  }
0x17e: {  	p1 =	seq.s32 s25, $0x0;
	v4 =	vadd.f32 v6, v4;
	v6 =	vld [tilespmem:$0x1FF70]  }
0x17f: {  	v5 =	vadd.f32 v5, v29;
	v29 =	vld [tilespmem:$0x1FFD0];
	v23 =	vpsel p1, $0x0, v0  }
0x180: {  	v7 =	vadd.f32 v23, v7;
	v23 =	vld [tilespmem:$0x1FFC0]  }
0x181: {  	v3 =	vld [tilespmem:$0x1FF60]  }
0x182: {  	v61 =	vadd.f32 v4, v5;
	v4 =	vld [tilespmem:$0x1FFB0]  }
0x183: {  	v5 =	vld [tilespmem:$0x1FFA0];
	v6 =	vsel vm0, $0x0, v6  }
0x184: {  	v6 =	vadd.f32 v6, v29;
	v29 =	vld [tilespmem:$0x1FF90]  }
0x185: {  	s31 =	spop (v2sf);
	vm15 =	veq.s32 v27, $0x0;
	v27 =	vld [tilespmem:s23+$0x84E0]  }
0x186: {  	v44 =	vimm.f32 $1.000000000e+00;
	p6 =	seq.s32 s31, $0x0;
	v0 =	vld [tilespmem:s23+$0x88E0];
	v30 =	vsel vm0, $0x0, v3  }
0x187: {  	v59 =	vsel vm0, $0x0, v44;
	v3 =	vld [tilespmem:s23+$0x88A0];
	v30 =	vadd.f32 v30, v23;
	v63 =	vpsel p6, $0x0, v61  }
0x188: {  	v23 =	vld [tilespmem:s23+$0x88C0];
	v7 =	vadd.f32 v63, v7;
	v62 =	vadd.f32 v59, v4;
	v5 =	vsel vm15, $0x0, v5  }
0x189: {  	v5 =	vadd.f32 v5, v6;
	v6 =	vsel vm15, $0x0, v44;
	v60 =	vsel vm15, $0x0, v29;
	v29 =	vld [tilespmem:s23+$0x8880]  }
0x18a: {  	s25 =	simm.s32 $0x0;
	s28 =	simm.s32 $0x100;
	s26 =	simm.s32 $0xFFFF8400;
	v6 =	vadd.f32 v6, v62;
	v4 =	vadd.f32 v60, v30;
	v30 =	vld [tilespmem:s23+$0x8490]  }
.LBB2_5:
0x18b: {  	p1 =	sne.s32 s28, $0xF80;
	v38 =	vld [tilespmem:s23+$0x84C0]  }
0x18c: {  	v39 =	vld [tilespmem:s23+$0x84D0]  }
0x18d: {  	v40 =	vld [tilespmem:s23+$0x84F0]  }
0x18e: {  	v41 =	vld [tilespmem:s23+$0x8890]  }
0x18f: {  	v42 =	vld [tilespmem:s23+$0x88B0]  }
0x190: {  	v43 =	vld [tilespmem:s23+$0x88D0]  }
0x191: {  	v32 =	vadd.f32 v38, v32;
	v38 =	vld [tilespmem:s23+$0x88F0];
	(v2sf) =	vpush v26, $0x0  }
0x192: {  	v26 =	vadd.f32 v39, v30;
	v30 =	vadd.f32 v40, v37;
	v37 =	vld [tilespmem:s23+$0x8C90]  }
0x193: {  	v25 =	vadd.f32 v27, v25;
	v27 =	vadd.f32 v29, v32;
	v29 =	vld [tilespmem:s23+$0x8CB0]  }
0x194: {  	v26 =	vadd.f32 v41, v26;
	v30 =	vadd.f32 v42, v30;
	v32 =	vld [tilespmem:s23+$0x8CD0]  }
0x195: {  	v3 =	vadd.f32 v3, v25;
	v23 =	vadd.f32 v23, v27;
	v25 =	vld [tilespmem:s23+$0x8CF0]  }
0x196: {  	v26 =	vadd.f32 v43, v26;
	v27 =	vadd.f32 v38, v30;
	v30 =	vld [tilespmem:s23+$0x9090]  }
0x197: {  	v0 =	vadd.f32 v0, v3;
	v2 =	vadd.f32 v2, v23;
	v3 =	vld [tilespmem:s23+$0x90B0]  }
0x198: {  	v23 =	vadd.f32 v37, v26;
	v26 =	vadd.f32 v29, v27;
	v27 =	vld [tilespmem:s23+$0x90D0]  }
0x199: {  	v0 =	vadd.f32 v35, v0;
	v2 =	vadd.f32 v36, v2;
	v29 =	vld [tilespmem:s23+$0x90F0]  }
0x19a: {  	v23 =	vadd.f32 v32, v23;
	v25 =	vadd.f32 v25, v26;
	v26 =	vld [tilespmem:s23+$0x9490]  }
0x19b: {  	v0 =	vadd.f32 v33, v0;
	v2 =	vadd.f32 v34, v2;
	v32 =	vld [tilespmem:s23+$0x94B0]  }
0x19c: {  	v23 =	vadd.f32 v30, v23;
	v3 =	vadd.f32 v3, v25;
	v25 =	vld [tilespmem:s23+$0x94D0]  }
0x19d: {  	v0 =	vadd.f32 v28, v0;
	v2 =	vadd.f32 v31, v2;
	v28 =	vld [tilespmem:s23+$0x94F0]  }
0x19e: {  	s22 =	sadd.s32 $0x1, s22;
	v23 =	vadd.f32 v27, v23;
	v3 =	vadd.f32 v29, v3;
	v27 =	vld [tilespmem:s23+$0x9890]  }
0x19f: {  	s29 =	sand.u32 $0x7, s22;
	v0 =	vadd.f32 v22, v0;
	v2 =	vadd.f32 v24, v2;
	v22 =	vld [tilespmem:s23+$0x98B0]  }
0x1a0: {  	s25 =	sadd.s32 $0x400, s25;
	s30 =	sshll.u32 s29, $0x7;
	v23 =	vadd.f32 v26, v23;
	v3 =	vadd.f32 v32, v3;
	v24 =	vld [tilespmem:s23+$0x98D0];
	s29 =	spop (v2sf)  }
0x1a1: {  	s30 =	sadd.s32 s30, s25;
	v0 =	vadd.f32 v20, v0;
	v2 =	vadd.f32 v21, v2;
	v20 =	vld [tilespmem:s23+$0x98F0]  }
0x1a2: {  	v21 =	vadd.f32 v25, v23;
	v3 =	vadd.f32 v28, v3;
	v23 =	vld [tilespmem:s23+$0x9CB0];
	s23 =	sor.u32 $0x1C20, s30  }
0x1a3: {  	s31 =	sor.u32 $0x1C00, s30;
	v0 =	vadd.f32 v18, v0;
	v2 =	vadd.f32 v19, v2;
	v18 =	vld [tilespmem:s23+$0x8480]  }
0x1a4: {  	v19 =	vadd.f32 v27, v21;
	s23 =	sor.u32 $0x1C10, s30;
	v3 =	vadd.f32 v22, v3;
	v21 =	vld [tilespmem:s31+$0x8480]  }
0x1a5: {  	v0 =	vadd.f32 v16, v0;
	v2 =	vadd.f32 v17, v2;
	v16 =	vld [tilespmem:s23+$0x8480];
	s23 =	sor.u32 $0x1C30, s30  }
0x1a6: {  	v17 =	vadd.f32 v24, v19;
	v3 =	vadd.f32 v20, v3;
	v19 =	vld [tilespmem:s23+$0x8480];
	s23 =	sor.u32 $0x1C58, s30  }
0x1a7: {  	s26 =	sadd.s32 $0x400, s26;
	v0 =	vadd.f32 v13, v0;
	s31 =	sor.u32 $0x1C40, s30;
	v2 =	vadd.f32 v15, v2;
	v13 =	vld [tilespmem:s23+$0x8480]  }
0x1a8: {  	s30 =	sor.u32 $0x1C50, s30;
	s23 =	sadd.s32 $0x8000, s26;
	v14 =	vadd.f32 v14, v17;
	v3 =	vadd.f32 v23, v3;
	v15 =	vld [tilespmem:s31+$0x8480]  }
0x1a9: {  	s24 =	sadd.s32 $0x1, s24;
	v0 =	vadd.f32 v9, v0;
	s23 =	sand.u32 $0x6000, s23;
	s31 =	sand.u32 $0x380, s28;
	v2 =	vadd.f32 v12, v2;
	v17 =	vld [tilespmem:s30+$0x8480]  }
0x1aa: {  	s23 =	sor.u32 s31, s23;
	v10 =	vadd.f32 v10, v14;
	v26 =	vld [tilespmem:s24+$0x0];
	v3 =	vadd.f32 v11, v3  }
0x1ab: {  	v0 =	vadd.f32 v8, v0;
	v2 =	vadd.f32 v21, v2;
	v8 =	vld [tilespmem:s23+$0x9CE0]  }
0x1ac: {  	v11 =	vadd.f32 v16, v10;
	v9 =	vld [tilespmem:s23+$0x9CA0];
	v3 =	vadd.f32 v19, v3;
	v13 =	vmul.f32 v1, v13  }
0x1ad: {  	v0 =	vadd.f32 v18, v0;
	v12 =	vld [tilespmem:s23+$0x9CC0];
	v2 =	vadd.f32 v15, v2  }
0x1ae: {  	v10 =	vld [tilespmem:s23+$0x9CD0];
	v14 =	vadd.f32 v17, v11;
	v3 =	vadd.f32 v13, v3  }
0x1af: {  	v11 =	vld [tilespmem:s23+$0x9CF0]  }
0x1b0: {  	v13 =	vld [tilespmem:s23+$0x98E0];
	v2 =	vadd.f32 v14, v2;
	v0 =	vadd.f32 v3, v0  }
0x1b1: {  	v15 =	vld [tilespmem:s23+$0x9C80]  }
0x1b2: {  	v14 =	vld [tilespmem:s23+$0x9C90];
	v0 =	vadd.f32 v0, v2  }
0x1b3: {  	p2 =	seq.s32 s29, $0x0;
	v16 =	vld [tilespmem:s23+$0x98A0]  }
0x1b4: {  	v17 =	vld [tilespmem:s23+$0x98C0];
	v0 =	vpsel p2, $0x0, v0  }
0x1b5: {  	v18 =	vld [tilespmem:s23+$0x94E0];
	v7 =	vadd.f32 v0, v7  }
0x1b6: {  	v19 =	vld [tilespmem:s23+$0x9880]  }
0x1b7: {  	v20 =	vld [tilespmem:s23+$0x94A0]  }
0x1b8: {  	v21 =	vld [tilespmem:s23+$0x94C0]  }
0x1b9: {  	v22 =	vld [tilespmem:s23+$0x90E0]  }
0x1ba: {  	v24 =	vld [tilespmem:s23+$0x9480]  }
0x1bb: {  	v28 =	vld [tilespmem:s23+$0x90A0]  }
0x1bc: {  	v31 =	vld [tilespmem:s23+$0x90C0]  }
0x1bd: {  	v33 =	vld [tilespmem:s23+$0x8CE0]  }
0x1be: {  	v34 =	vld [tilespmem:s23+$0x9080]  }
0x1bf: {  	v35 =	vld [tilespmem:s23+$0x8CA0]  }
0x1c0: {  	v36 =	vld [tilespmem:s23+$0x8CC0]  }
0x1c1: {  	v0 =	vld [tilespmem:s23+$0x88E0]  }
0x1c2: {  	v2 =	vld [tilespmem:s23+$0x8C80]  }
0x1c3: {  	v3 =	vld [tilespmem:s23+$0x88A0]  }
0x1c4: {  	v23 =	vld [tilespmem:s23+$0x88C0]  }
0x1c5: {  	v25 =	vld [tilespmem:s23+$0x84A0]  }
.Ltmp3:
0x1c6: {  	v27 =	vld [tilespmem:s23+$0x84E0];
	(pc) =	sbr.rel @p1 .LBB2_5-.Ltmp3, $4  }
0x1c7: {  	v29 =	vld [tilespmem:s23+$0x8880]  }
0x1c8: {  	v32 =	vld [tilespmem:s23+$0x8480]  }
0x1c9: {  	v30 =	vld [tilespmem:s23+$0x8490]  }
0x1ca: {  	s28 =	sadd.s32 $0x80, s28;
	v37 =	vld [tilespmem:s23+$0x84B0]  }
0x1cb: {  	v38 =	vld [tilespmem:s23+$0x84C0]  }
0x1cc: {  	v39 =	vld [tilespmem:s23+$0x84D0]  }
0x1cd: {  	v40 =	vld [tilespmem:s23+$0x84F0]  }
0x1ce: {  	v41 =	vld [tilespmem:s23+$0x8890]  }
0x1cf: {  	v42 =	vld [tilespmem:s23+$0x88B0]  }
0x1d0: {  	v43 =	vld [tilespmem:s23+$0x88D0]  }
0x1d1: {  	v48 =	vld [tilespmem:s23+$0x88F0]  }
0x1d2: {  	v51 =	vld [tilespmem:s23+$0x8C90]  }
0x1d3: {  	v53 =	vld [tilespmem:s23+$0x8CB0]  }
0x1d4: {  	(v2sf) =	vpush v26, $0x0;
	v54 =	vld [tilespmem:s23+$0x8CD0]  }
0x1d5: {  	v25 =	vadd.f32 v27, v25;
	v55 =	vld [tilespmem:s23+$0x8CF0];
	v32 =	vadd.f32 v38, v32  }
0x1d6: {  	v57 =	vld [tilespmem:s23+$0x9090];
	v49 =	vadd.f32 v39, v30;
	v50 =	vadd.f32 v40, v37  }
0x1d7: {  	v60 =	vld [tilespmem:s23+$0x90D0];
	v3 =	vadd.f32 v3, v25;
	v52 =	vadd.f32 v29, v32  }
0x1d8: {  	v61 =	vld [tilespmem:s23+$0x90F0];
	v26 =	vadd.f32 v41, v49;
	v30 =	vadd.f32 v42, v50  }
0x1d9: {  	v62 =	vld [tilespmem:s23+$0x9490];
	v0 =	vadd.f32 v0, v3;
	v23 =	vadd.f32 v23, v52  }
0x1da: {  	v63 =	vld [tilespmem:s23+$0x94B0];
	v26 =	vadd.f32 v43, v26;
	v56 =	vadd.f32 v48, v30  }
0x1db: {  	v3 =	vld [tilespmem:s23+$0x90B0];
	v0 =	vadd.f32 v35, v0;
	v2 =	vadd.f32 v2, v23  }
0x1dc: {  	v47 =	vld [tilespmem:s20+$0x20];
	v58 =	vadd.f32 v51, v26;
	v59 =	vadd.f32 v53, v56  }
0x1dd: {  	s22 =	sadd.s32 $0x1, s22;
	v37 =	vld [tilespmem:s23+$0x94F0];
	v0 =	vadd.f32 v33, v0;
	v2 =	vadd.f32 v36, v2  }
0x1de: {  	s22 =	sand.u32 $0x7, s22;
	v38 =	vld [tilespmem:s23+$0x9890];
	v23 =	vadd.f32 v54, v58;
	v25 =	vadd.f32 v55, v59  }
0x1df: {  	s24 =	sadd.s32 $0x400, s25;
	s22 =	sshll.u32 s22, $0x7;
	v39 =	vld [tilespmem:s23+$0x98B0];
	v0 =	vadd.f32 v28, v0;
	v2 =	vadd.f32 v34, v2  }
0x1e0: {  	s22 =	sadd.s32 s22, s24;
	v40 =	vld [tilespmem:s23+$0x98D0];
	v23 =	vadd.f32 v57, v23;
	v3 =	vadd.f32 v3, v25  }
0x1e1: {  	s31 =	sor.u32 $0x1C20, s22;
	v0 =	vadd.f32 v22, v0;
	v36 =	vld [tilespmem:s23+$0x94D0];
	v2 =	vadd.f32 v31, v2  }
0x1e2: {  	v45 =	vld [tilespmem:s31+$0x8480];
	v23 =	vadd.f32 v60, v23;
	v3 =	vadd.f32 v61, v3  }
0x1e3: {  	s25 =	sor.u32 $0x1C10, s22;
	v41 =	vld [tilespmem:s23+$0x98F0];
	v0 =	vadd.f32 v20, v0;
	v2 =	vadd.f32 v24, v2  }
0x1e4: {  	v49 =	vld [tilespmem:s25+$0x8480];
	v23 =	vadd.f32 v62, v23;
	v3 =	vadd.f32 v63, v3  }
0x1e5: {  	v51 =	vld [tilespmem:s20+$0x30];
	v0 =	vadd.f32 v18, v0;
	v2 =	vadd.f32 v21, v2  }
0x1e6: {  	s28 =	sor.u32 $0x1C58, s22;
	v43 =	vld [tilespmem:s23+$0x9CB0];
	v42 =	vadd.f32 v36, v23;
	v3 =	vadd.f32 v37, v3  }
0x1e7: {  	s24 =	sor.u32 $0x1C00, s22;
	v53 =	vld [tilespmem:s28+$0x8480];
	v0 =	vadd.f32 v16, v0;
	v2 =	vadd.f32 v19, v2  }
0x1e8: {  	s26 =	sor.u32 $0x1C30, s22;
	v48 =	vld [tilespmem:s24+$0x8480];
	v56 =	vand.u32 $0x7F, v47;
	v46 =	vadd.f32 v38, v42;
	v3 =	vadd.f32 v39, v3  }
0x1e9: {  	v52 =	vld [tilespmem:s26+$0x8480];
	v54 =	vshll.u32 v47, $0x3;
	v0 =	vadd.f32 v13, v0;
	v2 =	vadd.f32 v17, v2  }
0x1ea: {  	s29 =	sor.u32 $0x1C40, s22;
	v58 =	vld [tilespmem:$0x1FFE0];
	v59 =	vshll.u32 v51, $0x3;
	v50 =	vadd.f32 v40, v46;
	v3 =	vadd.f32 v41, v3  }
0x1eb: {  	v55 =	vld [tilespmem:s29+$0x8480];
	v60 =	vand.u32 $0x7F, v51;
	v0 =	vadd.f32 v9, v0;
	v2 =	vadd.f32 v15, v2  }
0x1ec: {  	s30 =	sor.u32 $0x1C50, s22;
	v61 =	vmul.f32 v1, v53;
	v62 =	vld [tilespmem:$0x1FFF0];
	v14 =	vadd.f32 v14, v50;
	v3 =	vadd.f32 v43, v3  }
0x1ed: {  	v57 =	vld [tilespmem:s30+$0x8480];
	v9 =	vand.u32 $0xFFFFFC00, v54;
	v0 =	vadd.f32 v8, v0;
	v2 =	vadd.f32 v12, v2  }
0x1ee: {  	v8 =	vor.u32 v56, v9;
	v10 =	vadd.f32 v10, v14;
	v3 =	vadd.f32 v11, v3  }
0x1ef: {  	v9 =	vand.u32 $0xFFFFFC00, v59;
	v8 =	vadd.s32 v58, v8;
	v2 =	vadd.f32 v48, v2  }
0x1f0: {  	v9 =	vor.u32 v60, v9;
	v10 =	vadd.f32 v49, v10;
	v3 =	vadd.f32 v52, v3  }
0x1f1: {  	v0 =	vadd.f32 v45, v0;
	v9 =	vadd.s32 v62, v9;
	v2 =	vadd.f32 v55, v2  }
0x1f2: {  	v10 =	vadd.f32 v57, v10;
	v3 =	vadd.f32 v61, v3;
	_ =	sdelay $0x1  }
0x1f3: {  	v8 =	vld.idx.msk [tilespmem:v8+s12+$0x0], $0xffff;
	v2 =	vadd.f32 v10, v2;
	v0 =	vadd.f32 v3, v0  }
0x1f4: {  	v3 =	vld.idx.msk [tilespmem:v58+s12+$0x0], $0xffff  }
0x1f5: {  	v0 =	vadd.f32 v0, v2;
	v2 =	vld.idx.msk [tilespmem:v9+s12+$0x0], $0xffff  }
0x1f6: {  	s31 =	spop (v2sf);
	v63 =	vld.idx.msk [tilespmem:v62+s12+$0x0], $0xffff  }
0x1f7: {  	vm0 =	veq.s32 v47, $0x0;
	p1 =	seq.s32 s31, $0x0  }
0x1f8: {  	vm15 =	veq.s32 v51, $0x0;
	v8 =	vsel vm0, $0x0, v8;
	v0 =	vpsel p1, $0x0, v0  }
.Ltmp4:
0x1f9: {  	v7 =	vadd.f32 v0, v7;
	v0 =	vadd.f32 v8, v4;
	v3 =	vsel vm0, $0x0, v3;
	(pc) =	sbr.rel @p0 .LBB2_8-.Ltmp4, $4  }
0x1fa: {  	v4 =	vsel vm0, $0x0, v44;
	v3 =	vadd.f32 v3, v5;
	v2 =	vsel vm15, $0x0, v2  }
0x1fb: {  	v4 =	vadd.f32 v4, v6;
	v5 =	vadd.f32 v2, v0;
	v0 =	vsel vm15, $0x0, v63  }
0x1fc: {  	v2 =	vsel vm15, $0x0, v44;
	v0 =	vadd.f32 v0, v3  }
0x1fd: {  	v2 =	vadd.f32 v2, v4  }
.Ltmp5:
0x1fe: {  	(pc) =	sbr.rel .LBB2_2-.Ltmp5, $4  }
0x1ff: {  	[tilespmem:$0x1FFC0] =	vst v5  }
0x200: {  	[tilespmem:$0x1FFD0] =	vst v0;
	s20 =	sadd.s32 s21, s7  }
0x201: {  	s19 =	sadd.s32 $0x1, s19;
	s18 =	sadd.s32 $0x40, s18;
	s17 =	sadd.s32 $0x40, s17;
	[tilespmem:$0x1FFB0] =	vst v2  }
0x202: {  	[tilespmem:s12], [sflag:$0x2] =	stream.linear.gather [hbm4b:s20+s2], $0x8000, $0x38;
	[tilespmem:$0x10500] =	vst v63  }
.LBB2_9:
0x203: {  	_ =	sfence.sel $0x180000  }
0x204: {  	[bflag:$0x0] =	sbarrier.arrive $0xFFFF  }
0x205: {  	p0 =	sne.s32 s1, $0x0;
	_ =	strace $0x90000047  }
0x206: {  	s0 =	sadd.s32 @!p0 $0x100000, s0;
	[bflag:$0x2] =	sbarrier.arrive $0xFFFF  }
0x207: {  	[sflag:s0] =	ssyncadd.tile.s32 @!p0 $0x1;
	_ =	shalt  }
.Lfunc_end2:
_tile_overlayer_lowered:
.L_overlay_start_2:
0x208: {  	(tag) =	ssettag $0x2  }
0x209: {  	s0 =	rddreg [dreg:$0x0];
	s2 =	stileid.u32  }
0x20a: {  	s1 =	rddreg [dreg:$0x1];
	p0 =	sne.s32 s2, $0x0  }
0x20b: {  	s3 =	rddreg [dreg:$0x2];
	[bflag:$0x3] =	sbarrier.arrive $0xFFFF;
	s2 =	simm.s32 @!p0 $0x1C03  }
0x20c: {  	[timem:s3], [sflag:s2] =	dma.local @!p0 [hbm:s0], s1  }
0x20d: {  	s0 =	simm.s32 @!p0 $0x3  }
0x20e: {  	_ =	swait.ge @!p0 [sflag:s0], s1  }
0x20f: {  	s1 =	ssub.s32 @!p0 $0x0, s1;
	[sflag:s0] =	ssyncset.done @!p0 $0x0  }
0x210: {  	[sflag:s0] =	ssyncadd.s32 @!p0 s1  }
0x211: {  	[bflag:$0x3] =	sbarrier.arrive $0xFFFF  }
0x212: {  	_ =	shalt  }

</sc_bundles>
